<compile_context>
chip_gen: v7x
topology: tpu7x:2x2x1
jax: 0.10.2.dev20260603
libtpu: 0.0.44.dev20260713+nightly
codegen_flags: <defaults>
</compile_context>

<pallas_src>
import functools

import jax
import jax.numpy as jnp
from jax import lax
from jax.experimental import pallas as pl
from jax.experimental.pallas import tpu as pltpu
from jax.experimental.pallas import tpu_sc as plsc

B = 64
F = 768
D = 768
NC, NS, L = 2, 16, 16
NW = NC * NS
FS = F // NW
RB = 16
NH = B // RB
NU = FS * NH
NBUF = 6


def _emb_call(xt, token_table, pos_table):
    mesh = plsc.VectorSubcoreMesh(core_axis_name="c", subcore_axis_name="s")

    @functools.partial(
        pl.kernel,
        mesh=mesh,
        out_type=jax.ShapeDtypeStruct((B, F, D), jnp.float32),
        scratch_types=[
            pltpu.VMEM((FS, B), jnp.int32),
            pltpu.VMEM((FS, D), jnp.float32),
            pltpu.VMEM((NBUF, RB, D), jnp.float32),
            pltpu.SemaphoreType.DMA,
            pltpu.SemaphoreType.DMA,
        ],
    )
    def k(xt_hbm, tok_hbm, pos_hbm, out_hbm, idx_v, pos_v, rows_v, gsem, wsem):
        wid = lax.axis_index("s") * NC + lax.axis_index("c")
        f0 = wid * FS
        pltpu.sync_copy(xt_hbm.at[pl.ds(f0, FS)], idx_v)
        pos_load = pltpu.make_async_copy(pos_hbm.at[pl.ds(f0, FS)], pos_v, wsem)
        pos_load.start()

        def gather_copy(u):
            j, h, t = u // NH, u % NH, u % NBUF
            return pltpu.make_async_copy(
                tok_hbm.at[idx_v.at[j, pl.ds(h * RB, RB)]], rows_v.at[t], gsem)

        def write_copy(u):
            j, h, t = u // NH, u % NH, u % NBUF
            return pltpu.make_async_copy(
                rows_v.at[t], out_hbm.at[pl.ds(h * RB, RB), f0 + j], wsem)

        def add_pos(u):
            j, t = u // NH, u % NBUF

            def col_body(c, _):
                pv = pos_v[j, pl.ds(c * L, L)]

                def row_body(r, _2):
                    plsc.addupdate(rows_v.at[t, r, pl.ds(c * L, L)], pv)
                    return 0

                lax.fori_loop(0, RB, row_body, 0, unroll=8)
                return 0

            lax.fori_loop(0, D // L, col_body, 0)

        K = NBUF - 1
        for u in range(K):
            gather_copy(u).start()
        gather_copy(0).wait()
        gather_copy(K).start()
        pos_load.wait()
        add_pos(0)
        write_copy(0).start()

        def body(u, _):
            gather_copy(u).wait()
            write_copy(u - 1).wait()
            gather_copy(u + K).start()
            add_pos(u)
            write_copy(u).start()
            return 0

        lax.fori_loop(1, NU - K, body, 0)

        def tail(u, _):
            gather_copy(u).wait()
            add_pos(u)
            write_copy(u).start()
            return 0

        lax.fori_loop(NU - K, NU, tail, 0)
        for u in range(NU - NBUF, NU):
            write_copy(u).wait()

    return k(xt, token_table, pos_table)


def kernel(x, token_table, pos_table):
    xt = x.T
    return _emb_call(xt, token_table, pos_table)

# --- scband reference (transcript-rebuilt; emitter-appended) ---
"""Pipeline reference for scband-embedding-18056042513016 (READ-ONLY COPY).

The authoritative reference and input builder live on the scoring server;
editing this copy changes nothing except your own understanding.
"""

import jax, jax.numpy as jnp
import numpy as np

NUM_PATCHES = 1024  # (512 // 16) ** 2
DIM_MODEL = 768
BATCH = 64


def setup_inputs(seed: int = 0) -> dict:
    key = jax.random.key(seed)
    k1, k2, k3 = jax.random.split(key, 3)
    x = jax.random.randint(k1, (BATCH, DIM_MODEL), 0, NUM_PATCHES, dtype=jnp.int32)
    token_table = jax.random.normal(k2, (NUM_PATCHES, DIM_MODEL), dtype=jnp.float32)
    pos_table = jax.random.normal(k3, (NUM_PATCHES, DIM_MODEL), dtype=jnp.float32)
    return {"x": x, "token_table": token_table, "pos_table": pos_table}


def reference(x, token_table, pos_table):
    # Flatten keeps batch dim: [B, F] with F == DIM_MODEL here
    x_flat = x.reshape(x.shape[0], -1)
    # pos = pos_emb(range(dim_model)) -> [dim_model, dim_model]
    pos_idx = jnp.arange(DIM_MODEL, dtype=jnp.int32)
    pos = jnp.take(pos_table, pos_idx, axis=0)
    # tokens = token_emb(x) -> [B, F, dim_model]
    tokens = jnp.take(token_table, x_flat, axis=0)
    # broadcast add: [B, F, D] + [F(=D), D]
    return tokens + pos

if __name__ == "__main__":
    import jax
    _d = setup_inputs()
    print(jax.jit(kernel)(*tuple(_d.values())))

</pallas_src>

<mosaic_0001>
#map = affine_map<(d0, d1) -> (0, 0)>
#map1 = affine_map<(d0, d1) -> (0, 0, 0)>
module attributes {stable_mosaic.version = 14 : i64} {
  func.func @k(%arg0: i32, %arg1: i32, %arg2: memref<768x64xi32, #tpu.memory_space<hbm>>, %arg3: memref<1024x768xf32, #tpu.memory_space<hbm>>, %arg4: memref<1024x768xf32, #tpu.memory_space<hbm>>, %arg5: memref<64x768x768xf32, #tpu.memory_space<hbm>>, %arg6: memref<24x64xi32, #tpu.memory_space<vmem>>, %arg7: memref<24x768xf32, #tpu.memory_space<vmem>>, %arg8: memref<6x16x768xf32, #tpu.memory_space<vmem>>, %arg9: memref<!tpu.dma_semaphore, #tpu.memory_space<semaphore_mem>>, %arg10: memref<!tpu.dma_semaphore, #tpu.memory_space<semaphore_mem>>) attributes {dimension_semantics = [#tpu.dimension_semantics<core_parallel>, #tpu.dimension_semantics<subcore_parallel>], iteration_bounds = array<i64: 2, 16>, scalar_prefetch = 0 : i64, scratch_operands = 5 : i64, tpu.core_type = #tpu.core_type<sc_vector_subcore>, window_params = [{transform_indices = #map}, {transform_indices = #map}, {transform_indices = #map}, {transform_indices = #map1}]} {
    %mul3A = arith.constant 2 : i32
    %mul3A_0 = arith.muli %arg1, %mul3A : i32
    %add3A = arith.addi %mul3A_0, %arg0 : i32
    %mul3A_1 = arith.constant 24 : i32
    %mul3A_2 = arith.muli %add3A, %mul3A_1 : i32
    "tpu.region"() ({
      %run_scoped3A = tpu.sem_alloc : memref<!tpu.dma_semaphore, #tpu.memory_space<semaphore_mem>>
      %dma_start3A_246 = arith.constant 0 : i32
      %dma_start3A_247 = tpu.memref_slice %arg2[%mul3A_2, %dma_start3A_246] : memref<768x64xi32, #tpu.memory_space<hbm>> -> memref<24x64xi32, #tpu.memory_space<hbm>>
      %dma_start3A_248 = arith.constant 0 : i32
      %dma_start3A_249 = tpu.memref_slice %arg2[%mul3A_2, %dma_start3A_248] : memref<768x64xi32, #tpu.memory_space<hbm>> -> memref<24x64xi32, #tpu.memory_space<hbm>>
      tpu.enqueue_dma source(%dma_start3A_249 : memref<24x64xi32, #tpu.memory_space<hbm>>) target(%arg6 : memref<24x64xi32, #tpu.memory_space<vmem>>) target_semaphore(%run_scoped3A : memref<!tpu.dma_semaphore, #tpu.memory_space<semaphore_mem>>)
      %dma_wait3A_250 = arith.constant 0 : i32
      %dma_wait3A_251 = tpu.memref_slice %arg2[%mul3A_2, %dma_wait3A_250] : memref<768x64xi32, #tpu.memory_space<hbm>> -> memref<24x64xi32, #tpu.memory_space<hbm>>
      %dma_wait3A_252 = arith.constant 0 : i32
      %dma_wait3A_253 = tpu.memref_slice %arg2[%mul3A_2, %dma_wait3A_252] : memref<768x64xi32, #tpu.memory_space<hbm>> -> memref<24x64xi32, #tpu.memory_space<hbm>>
      tpu.wait_dma2 semaphore(%run_scoped3A : memref<!tpu.dma_semaphore, #tpu.memory_space<semaphore_mem>>) src(%dma_wait3A_253 : memref<24x64xi32, #tpu.memory_space<hbm>>) dst(%arg6 : memref<24x64xi32, #tpu.memory_space<vmem>>)
      tpu.yield
    }) : () -> ()
    %dma_start3A = arith.constant 0 : i32
    %dma_start3A_3 = tpu.memref_slice %arg4[%mul3A_2, %dma_start3A] : memref<1024x768xf32, #tpu.memory_space<hbm>> -> memref<24x768xf32, #tpu.memory_space<hbm>>
    %dma_start3A_4 = arith.constant 0 : i32
    %dma_start3A_5 = tpu.memref_slice %arg4[%mul3A_2, %dma_start3A_4] : memref<1024x768xf32, #tpu.memory_space<hbm>> -> memref<24x768xf32, #tpu.memory_space<hbm>>
    tpu.enqueue_dma source(%dma_start3A_5 : memref<24x768xf32, #tpu.memory_space<hbm>>) target(%arg7 : memref<24x768xf32, #tpu.memory_space<vmem>>) target_semaphore(%arg10 : memref<!tpu.dma_semaphore, #tpu.memory_space<semaphore_mem>>)
    %dma_start3A_6 = arith.constant 0 : i32
    %dma_start3A_7 = arith.constant 0 : i32
    %dma_start3A_8 = arith.constant 0 : i32
    %dma_start3A_9 = arith.constant 0 : i32
    %dma_start3A_10 = tpu.memref_slice %arg8[%dma_start3A_7, %dma_start3A_8, %dma_start3A_9] : memref<6x16x768xf32, #tpu.memory_space<vmem>> -> memref<1x16x768xf32, #tpu.memory_space<vmem>>
    %dma_start3A_11 = tpu.memref_squeeze %dma_start3A_10 : memref<1x16x768xf32, #tpu.memory_space<vmem>> -> memref<16x768xf32, #tpu.memory_space<vmem>>
    %dma_start3A_12 = arith.constant 0 : i32
    %dma_start3A_13 = tpu.memref_slice %arg6[%dma_start3A_6, %dma_start3A_12] : memref<24x64xi32, #tpu.memory_space<vmem>> -> memref<1x16xi32, #tpu.memory_space<vmem>>
    %dma_start3A_14 = tpu.memref_squeeze %dma_start3A_13 : memref<1x16xi32, #tpu.memory_space<vmem>> -> memref<16xi32, #tpu.memory_space<vmem>>
    %dma_start3A_15 = arith.constant 0 : i32
    %dma_start3A_16 = arith.constant 0 : i32
    %dma_start3A_17 = tpu.memref_slice %arg3[%dma_start3A_15, %dma_start3A_16] : memref<1024x768xf32, #tpu.memory_space<hbm>> -> memref<1024x768xf32, #tpu.memory_space<hbm>>
    tpu.enqueue_indirect_dma source(%dma_start3A_17 : memref<1024x768xf32, #tpu.memory_space<hbm>>) target(%dma_start3A_11 : memref<16x768xf32, #tpu.memory_space<vmem>>) offsets(%dma_start3A_14 : memref<16xi32, #tpu.memory_space<vmem>>) semaphore(%arg9 : memref<!tpu.dma_semaphore, #tpu.memory_space<semaphore_mem>>)
    %dma_start3A_18 = arith.constant 0 : i32
    %dma_start3A_19 = arith.constant 1 : i32
    %dma_start3A_20 = arith.constant 0 : i32
    %dma_start3A_21 = arith.constant 0 : i32
    %dma_start3A_22 = tpu.memref_slice %arg8[%dma_start3A_19, %dma_start3A_20, %dma_start3A_21] : memref<6x16x768xf32, #tpu.memory_space<vmem>> -> memref<1x16x768xf32, #tpu.memory_space<vmem>>
    %dma_start3A_23 = tpu.memref_squeeze %dma_start3A_22 : memref<1x16x768xf32, #tpu.memory_space<vmem>> -> memref<16x768xf32, #tpu.memory_space<vmem>>
    %dma_start3A_24 = arith.constant 16 : i32
    %dma_start3A_25 = tpu.memref_slice %arg6[%dma_start3A_18, %dma_start3A_24] : memref<24x64xi32, #tpu.memory_space<vmem>> -> memref<1x16xi32, #tpu.memory_space<vmem>>
    %dma_start3A_26 = tpu.memref_squeeze %dma_start3A_25 : memref<1x16xi32, #tpu.memory_space<vmem>> -> memref<16xi32, #tpu.memory_space<vmem>>
    %dma_start3A_27 = arith.constant 0 : i32
    %dma_start3A_28 = arith.constant 0 : i32
    %dma_start3A_29 = tpu.memref_slice %arg3[%dma_start3A_27, %dma_start3A_28] : memref<1024x768xf32, #tpu.memory_space<hbm>> -> memref<1024x768xf32, #tpu.memory_space<hbm>>
    tpu.enqueue_indirect_dma source(%dma_start3A_29 : memref<1024x768xf32, #tpu.memory_space<hbm>>) target(%dma_start3A_23 : memref<16x768xf32, #tpu.memory_space<vmem>>) offsets(%dma_start3A_26 : memref<16xi32, #tpu.memory_space<vmem>>) semaphore(%arg9 : memref<!tpu.dma_semaphore, #tpu.memory_space<semaphore_mem>>)
    %dma_start3A_30 = arith.constant 0 : i32
    %dma_start3A_31 = arith.constant 2 : i32
    %dma_start3A_32 = arith.constant 0 : i32
    %dma_start3A_33 = arith.constant 0 : i32
    %dma_start3A_34 = tpu.memref_slice %arg8[%dma_start3A_31, %dma_start3A_32, %dma_start3A_33] : memref<6x16x768xf32, #tpu.memory_space<vmem>> -> memref<1x16x768xf32, #tpu.memory_space<vmem>>
    %dma_start3A_35 = tpu.memref_squeeze %dma_start3A_34 : memref<1x16x768xf32, #tpu.memory_space<vmem>> -> memref<16x768xf32, #tpu.memory_space<vmem>>
    %dma_start3A_36 = arith.constant 32 : i32
    %dma_start3A_37 = tpu.memref_slice %arg6[%dma_start3A_30, %dma_start3A_36] : memref<24x64xi32, #tpu.memory_space<vmem>> -> memref<1x16xi32, #tpu.memory_space<vmem>>
    %dma_start3A_38 = tpu.memref_squeeze %dma_start3A_37 : memref<1x16xi32, #tpu.memory_space<vmem>> -> memref<16xi32, #tpu.memory_space<vmem>>
    %dma_start3A_39 = arith.constant 0 : i32
    %dma_start3A_40 = arith.constant 0 : i32
    %dma_start3A_41 = tpu.memref_slice %arg3[%dma_start3A_39, %dma_start3A_40] : memref<1024x768xf32, #tpu.memory_space<hbm>> -> memref<1024x768xf32, #tpu.memory_space<hbm>>
    tpu.enqueue_indirect_dma source(%dma_start3A_41 : memref<1024x768xf32, #tpu.memory_space<hbm>>) target(%dma_start3A_35 : memref<16x768xf32, #tpu.memory_space<vmem>>) offsets(%dma_start3A_38 : memref<16xi32, #tpu.memory_space<vmem>>) semaphore(%arg9 : memref<!tpu.dma_semaphore, #tpu.memory_space<semaphore_mem>>)
    %dma_start3A_42 = arith.constant 0 : i32
    %dma_start3A_43 = arith.constant 3 : i32
    %dma_start3A_44 = arith.constant 0 : i32
    %dma_start3A_45 = arith.constant 0 : i32
    %dma_start3A_46 = tpu.memref_slice %arg8[%dma_start3A_43, %dma_start3A_44, %dma_start3A_45] : memref<6x16x768xf32, #tpu.memory_space<vmem>> -> memref<1x16x768xf32, #tpu.memory_space<vmem>>
    %dma_start3A_47 = tpu.memref_squeeze %dma_start3A_46 : memref<1x16x768xf32, #tpu.memory_space<vmem>> -> memref<16x768xf32, #tpu.memory_space<vmem>>
    %dma_start3A_48 = arith.constant 48 : i32
    %dma_start3A_49 = tpu.memref_slice %arg6[%dma_start3A_42, %dma_start3A_48] : memref<24x64xi32, #tpu.memory_space<vmem>> -> memref<1x16xi32, #tpu.memory_space<vmem>>
    %dma_start3A_50 = tpu.memref_squeeze %dma_start3A_49 : memref<1x16xi32, #tpu.memory_space<vmem>> -> memref<16xi32, #tpu.memory_space<vmem>>
    %dma_start3A_51 = arith.constant 0 : i32
    %dma_start3A_52 = arith.constant 0 : i32
    %dma_start3A_53 = tpu.memref_slice %arg3[%dma_start3A_51, %dma_start3A_52] : memref<1024x768xf32, #tpu.memory_space<hbm>> -> memref<1024x768xf32, #tpu.memory_space<hbm>>
    tpu.enqueue_indirect_dma source(%dma_start3A_53 : memref<1024x768xf32, #tpu.memory_space<hbm>>) target(%dma_start3A_47 : memref<16x768xf32, #tpu.memory_space<vmem>>) offsets(%dma_start3A_50 : memref<16xi32, #tpu.memory_space<vmem>>) semaphore(%arg9 : memref<!tpu.dma_semaphore, #tpu.memory_space<semaphore_mem>>)
    %dma_start3A_54 = arith.constant 1 : i32
    %dma_start3A_55 = arith.constant 4 : i32
    %dma_start3A_56 = arith.constant 0 : i32
    %dma_start3A_57 = arith.constant 0 : i32
    %dma_start3A_58 = tpu.memref_slice %arg8[%dma_start3A_55, %dma_start3A_56, %dma_start3A_57] : memref<6x16x768xf32, #tpu.memory_space<vmem>> -> memref<1x16x768xf32, #tpu.memory_space<vmem>>
    %dma_start3A_59 = tpu.memref_squeeze %dma_start3A_58 : memref<1x16x768xf32, #tpu.memory_space<vmem>> -> memref<16x768xf32, #tpu.memory_space<vmem>>
    %dma_start3A_60 = arith.constant 0 : i32
    %dma_start3A_61 = tpu.memref_slice %arg6[%dma_start3A_54, %dma_start3A_60] : memref<24x64xi32, #tpu.memory_space<vmem>> -> memref<1x16xi32, #tpu.memory_space<vmem>>
    %dma_start3A_62 = tpu.memref_squeeze %dma_start3A_61 : memref<1x16xi32, #tpu.memory_space<vmem>> -> memref<16xi32, #tpu.memory_space<vmem>>
    %dma_start3A_63 = arith.constant 0 : i32
    %dma_start3A_64 = arith.constant 0 : i32
    %dma_start3A_65 = tpu.memref_slice %arg3[%dma_start3A_63, %dma_start3A_64] : memref<1024x768xf32, #tpu.memory_space<hbm>> -> memref<1024x768xf32, #tpu.memory_space<hbm>>
    tpu.enqueue_indirect_dma source(%dma_start3A_65 : memref<1024x768xf32, #tpu.memory_space<hbm>>) target(%dma_start3A_59 : memref<16x768xf32, #tpu.memory_space<vmem>>) offsets(%dma_start3A_62 : memref<16xi32, #tpu.memory_space<vmem>>) semaphore(%arg9 : memref<!tpu.dma_semaphore, #tpu.memory_space<semaphore_mem>>)
    %dma_wait3A = arith.constant 0 : i32
    %dma_wait3A_66 = arith.constant 0 : i32
    %dma_wait3A_67 = arith.constant 0 : i32
    %dma_wait3A_68 = arith.constant 0 : i32
    %dma_wait3A_69 = tpu.memref_slice %arg8[%dma_wait3A_66, %dma_wait3A_67, %dma_wait3A_68] : memref<6x16x768xf32, #tpu.memory_space<vmem>> -> memref<1x16x768xf32, #tpu.memory_space<vmem>>
    %dma_wait3A_70 = tpu.memref_squeeze %dma_wait3A_69 : memref<1x16x768xf32, #tpu.memory_space<vmem>> -> memref<16x768xf32, #tpu.memory_space<vmem>>
    %dma_wait3A_71 = arith.constant 0 : i32
    %dma_wait3A_72 = tpu.memref_slice %arg6[%dma_wait3A, %dma_wait3A_71] : memref<24x64xi32, #tpu.memory_space<vmem>> -> memref<1x16xi32, #tpu.memory_space<vmem>>
    %dma_wait3A_73 = tpu.memref_squeeze %dma_wait3A_72 : memref<1x16xi32, #tpu.memory_space<vmem>> -> memref<16xi32, #tpu.memory_space<vmem>>
    %dma_wait3A_74 = arith.constant 0 : i32
    %dma_wait3A_75 = arith.constant 0 : i32
    %dma_wait3A_76 = tpu.memref_slice %arg3[%dma_wait3A_74, %dma_wait3A_75] : memref<1024x768xf32, #tpu.memory_space<hbm>> -> memref<1024x768xf32, #tpu.memory_space<hbm>>
    tpu.wait_indirect_dma semaphore(%arg9 : memref<!tpu.dma_semaphore, #tpu.memory_space<semaphore_mem>>) src(%dma_wait3A_76 : memref<1024x768xf32, #tpu.memory_space<hbm>>) dst(%dma_wait3A_70 : memref<16x768xf32, #tpu.memory_space<vmem>>)
    %dma_start3A_77 = arith.constant 1 : i32
    %dma_start3A_78 = arith.constant 5 : i32
    %dma_start3A_79 = arith.constant 0 : i32
    %dma_start3A_80 = arith.constant 0 : i32
    %dma_start3A_81 = tpu.memref_slice %arg8[%dma_start3A_78, %dma_start3A_79, %dma_start3A_80] : memref<6x16x768xf32, #tpu.memory_space<vmem>> -> memref<1x16x768xf32, #tpu.memory_space<vmem>>
    %dma_start3A_82 = tpu.memref_squeeze %dma_start3A_81 : memref<1x16x768xf32, #tpu.memory_space<vmem>> -> memref<16x768xf32, #tpu.memory_space<vmem>>
    %dma_start3A_83 = arith.constant 16 : i32
    %dma_start3A_84 = tpu.memref_slice %arg6[%dma_start3A_77, %dma_start3A_83] : memref<24x64xi32, #tpu.memory_space<vmem>> -> memref<1x16xi32, #tpu.memory_space<vmem>>
    %dma_start3A_85 = tpu.memref_squeeze %dma_start3A_84 : memref<1x16xi32, #tpu.memory_space<vmem>> -> memref<16xi32, #tpu.memory_space<vmem>>
    %dma_start3A_86 = arith.constant 0 : i32
    %dma_start3A_87 = arith.constant 0 : i32
    %dma_start3A_88 = tpu.memref_slice %arg3[%dma_start3A_86, %dma_start3A_87] : memref<1024x768xf32, #tpu.memory_space<hbm>> -> memref<1024x768xf32, #tpu.memory_space<hbm>>
    tpu.enqueue_indirect_dma source(%dma_start3A_88 : memref<1024x768xf32, #tpu.memory_space<hbm>>) target(%dma_start3A_82 : memref<16x768xf32, #tpu.memory_space<vmem>>) offsets(%dma_start3A_85 : memref<16xi32, #tpu.memory_space<vmem>>) semaphore(%arg9 : memref<!tpu.dma_semaphore, #tpu.memory_space<semaphore_mem>>)
    %dma_wait3A_89 = arith.constant 0 : i32
    %dma_wait3A_90 = tpu.memref_slice %arg4[%mul3A_2, %dma_wait3A_89] : memref<1024x768xf32, #tpu.memory_space<hbm>> -> memref<24x768xf32, #tpu.memory_space<hbm>>
    %dma_wait3A_91 = arith.constant 0 : i32
    %dma_wait3A_92 = tpu.memref_slice %arg4[%mul3A_2, %dma_wait3A_91] : memref<1024x768xf32, #tpu.memory_space<hbm>> -> memref<24x768xf32, #tpu.memory_space<hbm>>
    tpu.wait_dma2 semaphore(%arg10 : memref<!tpu.dma_semaphore, #tpu.memory_space<semaphore_mem>>) src(%dma_wait3A_92 : memref<24x768xf32, #tpu.memory_space<hbm>>) dst(%arg7 : memref<24x768xf32, #tpu.memory_space<vmem>>)
    %scan3A = arith.constant 0 : i32
    %scan3A_93 = arith.constant 0 : i32
    %scan3A_94 = arith.constant 48 : i32
    %scan3A_95 = arith.addi %scan3A_93, %scan3A_94 : i32
    %scan3A_96 = arith.constant 1 : i32
    %scan3A_97 = scf.for %scan3A_246 = %scan3A_93 to %scan3A_95 step %scan3A_96 iter_args(%scan3A_247 = %scan3A) -> (i32)  : i32 {
      %mul3A_248 = arith.constant 16 : i32
      %mul3A_249 = arith.muli %scan3A_246, %mul3A_248 : i32
      %get3A = arith.constant 0 : i32
      %get3A_250 = arith.index_cast %get3A : i32 to index
      %get3A_251 = arith.index_cast %mul3A_249 : i32 to index
      %get3A_252 = tpu.vector_load %arg7[%get3A_250, %get3A_251] {strides = array<i32>} : memref<24x768xf32, #tpu.memory_space<vmem>>, vector<1x16xf32>,
      %get3A_253 = vector.shape_cast %get3A_252 : vector<1x16xf32> to vector<16xf32>
      %scan3A_254 = arith.constant 0 : i32
      %scan3A_255 = arith.constant 0 : i32
      %scan3A_256 = arith.constant 16 : i32
      %scan3A_257 = arith.addi %scan3A_255, %scan3A_256 : i32
      %scan3A_258 = arith.constant 8 : i32
      %scan3A_259 = scf.for %scan3A_262 = %scan3A_255 to %scan3A_257 step %scan3A_258 iter_args(%scan3A_263 = %scan3A_254) -> (i32)  : i32 {
        %mul3A_264 = arith.constant 16 : i32
        %mul3A_265 = arith.muli %scan3A_246, %mul3A_264 : i32
        %swap3A = arith.constant 0 : i32
        %swap3A_266 = arith.index_cast %swap3A : i32 to index
        %swap3A_267 = arith.index_cast %scan3A_262 : i32 to index
        %swap3A_268 = arith.index_cast %mul3A_265 : i32 to index
        %swap3A_269 = tpu.vector_load %arg8[%swap3A_266, %swap3A_267, %swap3A_268] {strides = array<i32>} : memref<6x16x768xf32, #tpu.memory_space<vmem>>, vector<1x1x16xf32>,
        %swap3A_270 = vector.shape_cast %swap3A_269 : vector<1x1x16xf32> to vector<16xf32>
        %swap3A_271 = vector.shape_cast %get3A_253 : vector<16xf32> to vector<1x1x16xf32>
        tpu.vector_store %arg8[%swap3A_266, %swap3A_267, %swap3A_268], %swap3A_271 {add = true, strides = array<i32>} : memref<6x16x768xf32, #tpu.memory_space<vmem>>, vector<1x1x16xf32>,
        %scan3A_272 = arith.constant 0 : i32
        %scan3A_273 = arith.constant 1 : i32
        %scan3A_274 = arith.addi %scan3A_262, %scan3A_273 : i32
        %mul3A_275 = arith.constant 16 : i32
        %mul3A_276 = arith.muli %scan3A_246, %mul3A_275 : i32
        %swap3A_277 = arith.constant 0 : i32
        %swap3A_278 = arith.index_cast %swap3A_277 : i32 to index
        %swap3A_279 = arith.index_cast %scan3A_274 : i32 to index
        %swap3A_280 = arith.index_cast %mul3A_276 : i32 to index
        %swap3A_281 = tpu.vector_load %arg8[%swap3A_278, %swap3A_279, %swap3A_280] {strides = array<i32>} : memref<6x16x768xf32, #tpu.memory_space<vmem>>, vector<1x1x16xf32>,
        %swap3A_282 = vector.shape_cast %swap3A_281 : vector<1x1x16xf32> to vector<16xf32>
        %swap3A_283 = vector.shape_cast %get3A_253 : vector<16xf32> to vector<1x1x16xf32>
        tpu.vector_store %arg8[%swap3A_278, %swap3A_279, %swap3A_280], %swap3A_283 {add = true, strides = array<i32>} : memref<6x16x768xf32, #tpu.memory_space<vmem>>, vector<1x1x16xf32>,
        %scan3A_284 = arith.constant 0 : i32
        %scan3A_285 = arith.constant 2 : i32
        %scan3A_286 = arith.addi %scan3A_262, %scan3A_285 : i32
        %mul3A_287 = arith.constant 16 : i32
        %mul3A_288 = arith.muli %scan3A_246, %mul3A_287 : i32
        %swap3A_289 = arith.constant 0 : i32
        %swap3A_290 = arith.index_cast %swap3A_289 : i32 to index
        %swap3A_291 = arith.index_cast %scan3A_286 : i32 to index
        %swap3A_292 = arith.index_cast %mul3A_288 : i32 to index
        %swap3A_293 = tpu.vector_load %arg8[%swap3A_290, %swap3A_291, %swap3A_292] {strides = array<i32>} : memref<6x16x768xf32, #tpu.memory_space<vmem>>, vector<1x1x16xf32>,
        %swap3A_294 = vector.shape_cast %swap3A_293 : vector<1x1x16xf32> to vector<16xf32>
        %swap3A_295 = vector.shape_cast %get3A_253 : vector<16xf32> to vector<1x1x16xf32>
        tpu.vector_store %arg8[%swap3A_290, %swap3A_291, %swap3A_292], %swap3A_295 {add = true, strides = array<i32>} : memref<6x16x768xf32, #tpu.memory_space<vmem>>, vector<1x1x16xf32>,
        %scan3A_296 = arith.constant 0 : i32
        %scan3A_297 = arith.constant 3 : i32
        %scan3A_298 = arith.addi %scan3A_262, %scan3A_297 : i32
        %mul3A_299 = arith.constant 16 : i32
        %mul3A_300 = arith.muli %scan3A_246, %mul3A_299 : i32
        %swap3A_301 = arith.constant 0 : i32
        %swap3A_302 = arith.index_cast %swap3A_301 : i32 to index
        %swap3A_303 = arith.index_cast %scan3A_298 : i32 to index
        %swap3A_304 = arith.index_cast %mul3A_300 : i32 to index
        %swap3A_305 = tpu.vector_load %arg8[%swap3A_302, %swap3A_303, %swap3A_304] {strides = array<i32>} : memref<6x16x768xf32, #tpu.memory_space<vmem>>, vector<1x1x16xf32>,
        %swap3A_306 = vector.shape_cast %swap3A_305 : vector<1x1x16xf32> to vector<16xf32>
        %swap3A_307 = vector.shape_cast %get3A_253 : vector<16xf32> to vector<1x1x16xf32>
        tpu.vector_store %arg8[%swap3A_302, %swap3A_303, %swap3A_304], %swap3A_307 {add = true, strides = array<i32>} : memref<6x16x768xf32, #tpu.memory_space<vmem>>, vector<1x1x16xf32>,
        %scan3A_308 = arith.constant 0 : i32
        %scan3A_309 = arith.constant 4 : i32
        %scan3A_310 = arith.addi %scan3A_262, %scan3A_309 : i32
        %mul3A_311 = arith.constant 16 : i32
        %mul3A_312 = arith.muli %scan3A_246, %mul3A_311 : i32
        %swap3A_313 = arith.constant 0 : i32
        %swap3A_314 = arith.index_cast %swap3A_313 : i32 to index
        %swap3A_315 = arith.index_cast %scan3A_310 : i32 to index
        %swap3A_316 = arith.index_cast %mul3A_312 : i32 to index
        %swap3A_317 = tpu.vector_load %arg8[%swap3A_314, %swap3A_315, %swap3A_316] {strides = array<i32>} : memref<6x16x768xf32, #tpu.memory_space<vmem>>, vector<1x1x16xf32>,
        %swap3A_318 = vector.shape_cast %swap3A_317 : vector<1x1x16xf32> to vector<16xf32>
        %swap3A_319 = vector.shape_cast %get3A_253 : vector<16xf32> to vector<1x1x16xf32>
        tpu.vector_store %arg8[%swap3A_314, %swap3A_315, %swap3A_316], %swap3A_319 {add = true, strides = array<i32>} : memref<6x16x768xf32, #tpu.memory_space<vmem>>, vector<1x1x16xf32>,
        %scan3A_320 = arith.constant 0 : i32
        %scan3A_321 = arith.constant 5 : i32
        %scan3A_322 = arith.addi %scan3A_262, %scan3A_321 : i32
        %mul3A_323 = arith.constant 16 : i32
        %mul3A_324 = arith.muli %scan3A_246, %mul3A_323 : i32
        %swap3A_325 = arith.constant 0 : i32
        %swap3A_326 = arith.index_cast %swap3A_325 : i32 to index
        %swap3A_327 = arith.index_cast %scan3A_322 : i32 to index
        %swap3A_328 = arith.index_cast %mul3A_324 : i32 to index
        %swap3A_329 = tpu.vector_load %arg8[%swap3A_326, %swap3A_327, %swap3A_328] {strides = array<i32>} : memref<6x16x768xf32, #tpu.memory_space<vmem>>, vector<1x1x16xf32>,
        %swap3A_330 = vector.shape_cast %swap3A_329 : vector<1x1x16xf32> to vector<16xf32>
        %swap3A_331 = vector.shape_cast %get3A_253 : vector<16xf32> to vector<1x1x16xf32>
        tpu.vector_store %arg8[%swap3A_326, %swap3A_327, %swap3A_328], %swap3A_331 {add = true, strides = array<i32>} : memref<6x16x768xf32, #tpu.memory_space<vmem>>, vector<1x1x16xf32>,
        %scan3A_332 = arith.constant 0 : i32
        %scan3A_333 = arith.constant 6 : i32
        %scan3A_334 = arith.addi %scan3A_262, %scan3A_333 : i32
        %mul3A_335 = arith.constant 16 : i32
        %mul3A_336 = arith.muli %scan3A_246, %mul3A_335 : i32
        %swap3A_337 = arith.constant 0 : i32
        %swap3A_338 = arith.index_cast %swap3A_337 : i32 to index
        %swap3A_339 = arith.index_cast %scan3A_334 : i32 to index
        %swap3A_340 = arith.index_cast %mul3A_336 : i32 to index
        %swap3A_341 = tpu.vector_load %arg8[%swap3A_338, %swap3A_339, %swap3A_340] {strides = array<i32>} : memref<6x16x768xf32, #tpu.memory_space<vmem>>, vector<1x1x16xf32>,
        %swap3A_342 = vector.shape_cast %swap3A_341 : vector<1x1x16xf32> to vector<16xf32>
        %swap3A_343 = vector.shape_cast %get3A_253 : vector<16xf32> to vector<1x1x16xf32>
        tpu.vector_store %arg8[%swap3A_338, %swap3A_339, %swap3A_340], %swap3A_343 {add = true, strides = array<i32>} : memref<6x16x768xf32, #tpu.memory_space<vmem>>, vector<1x1x16xf32>,
        %scan3A_344 = arith.constant 0 : i32
        %scan3A_345 = arith.constant 7 : i32
        %scan3A_346 = arith.addi %scan3A_262, %scan3A_345 : i32
        %mul3A_347 = arith.constant 16 : i32
        %mul3A_348 = arith.muli %scan3A_246, %mul3A_347 : i32
        %swap3A_349 = arith.constant 0 : i32
        %swap3A_350 = arith.index_cast %swap3A_349 : i32 to index
        %swap3A_351 = arith.index_cast %scan3A_346 : i32 to index
        %swap3A_352 = arith.index_cast %mul3A_348 : i32 to index
        %swap3A_353 = tpu.vector_load %arg8[%swap3A_350, %swap3A_351, %swap3A_352] {strides = array<i32>} : memref<6x16x768xf32, #tpu.memory_space<vmem>>, vector<1x1x16xf32>,
        %swap3A_354 = vector.shape_cast %swap3A_353 : vector<1x1x16xf32> to vector<16xf32>
        %swap3A_355 = vector.shape_cast %get3A_253 : vector<16xf32> to vector<1x1x16xf32>
        tpu.vector_store %arg8[%swap3A_350, %swap3A_351, %swap3A_352], %swap3A_355 {add = true, strides = array<i32>} : memref<6x16x768xf32, #tpu.memory_space<vmem>>, vector<1x1x16xf32>,
        %scan3A_356 = arith.constant 0 : i32
        scf.yield %scan3A_356 : i32
      }
      %scan3A_260 = arith.constant 16 : i32
      %scan3A_261 = arith.constant 0 : i32
      scf.yield %scan3A_261 : i32
    }
    %scan3A_98 = arith.constant 48 : i32
    %add3A_99 = arith.constant 0 : i32
    %add3A_100 = arith.addi %mul3A_2, %add3A_99 : i32
    %dma_start3A_101 = arith.constant 0 : i32
    %dma_start3A_102 = arith.constant 0 : i32
    %dma_start3A_103 = arith.constant 0 : i32
    %dma_start3A_104 = tpu.memref_slice %arg8[%dma_start3A_101, %dma_start3A_102, %dma_start3A_103] : memref<6x16x768xf32, #tpu.memory_space<vmem>> -> memref<1x16x768xf32, #tpu.memory_space<vmem>>
    %dma_start3A_105 = tpu.memref_squeeze %dma_start3A_104 : memref<1x16x768xf32, #tpu.memory_space<vmem>> -> memref<16x768xf32, #tpu.memory_space<vmem>>
    %dma_start3A_106 = arith.constant 0 : i32
    %dma_start3A_107 = arith.constant 0 : i32
    %dma_start3A_108 = tpu.memref_slice %arg5[%dma_start3A_106, %add3A_100, %dma_start3A_107] : memref<64x768x768xf32, #tpu.memory_space<hbm>> -> memref<16x1x768xf32, #tpu.memory_space<hbm>>
    %dma_start3A_109 = tpu.memref_squeeze %dma_start3A_108 : memref<16x1x768xf32, #tpu.memory_space<hbm>> -> memref<16x768xf32, #tpu.memory_space<hbm>>
    %dma_start3A_110 = arith.constant 0 : i32
    %dma_start3A_111 = arith.constant 0 : i32
    %dma_start3A_112 = tpu.memref_slice %arg5[%dma_start3A_110, %add3A_100, %dma_start3A_111] : memref<64x768x768xf32, #tpu.memory_space<hbm>> -> memref<16x1x768xf32, #tpu.memory_space<hbm>>
    %dma_start3A_113 = tpu.memref_squeeze %dma_start3A_112 : memref<16x1x768xf32, #tpu.memory_space<hbm>> -> memref<16x768xf32, #tpu.memory_space<hbm>>
    %dma_start3A_114 = arith.constant 0 : i32
    %dma_start3A_115 = arith.constant 0 : i32
    %dma_start3A_116 = tpu.memref_slice %arg8[%dma_start3A_101, %dma_start3A_114, %dma_start3A_115] : memref<6x16x768xf32, #tpu.memory_space<vmem>> -> memref<1x16x768xf32, #tpu.memory_space<vmem>>
    %dma_start3A_117 = tpu.memref_squeeze %dma_start3A_116 : memref<1x16x768xf32, #tpu.memory_space<vmem>> -> memref<16x768xf32, #tpu.memory_space<vmem>>
    tpu.enqueue_dma source(%dma_start3A_117 : memref<16x768xf32, #tpu.memory_space<vmem>>) target(%dma_start3A_113 : memref<16x768xf32, #tpu.memory_space<hbm>>) target_semaphore(%arg10 : memref<!tpu.dma_semaphore, #tpu.memory_space<semaphore_mem>>)
    %scan3A_118 = arith.constant 0 : i32
    %scan3A_119 = arith.constant 1 : i32
    %scan3A_120 = arith.constant 90 : i32
    %scan3A_121 = arith.addi %scan3A_119, %scan3A_120 : i32
    %scan3A_122 = arith.constant 1 : i32
    %scan3A_123 = scf.for %scan3A_246 = %scan3A_119 to %scan3A_121 step %scan3A_122 iter_args(%scan3A_247 = %scan3A_118) -> (i32)  : i32 {
      %jit3A = arith.constant 4 : i32
      %div3A = arith.divsi %scan3A_246, %jit3A : i32
      %sign3A = arith.constant 0 : i32
      %sign3A_248 = arith.cmpi sgt, %scan3A_246, %sign3A : i32
      %sign3A_249 = arith.extui %sign3A_248 : i1 to i32
      %sign3A_250 = arith.constant 0 : i32
      %sign3A_251 = arith.cmpi slt, %scan3A_246, %sign3A_250 : i32
      %sign3A_252 = arith.extui %sign3A_251 : i1 to i32
      %sign3A_253 = arith.subi %sign3A_249, %sign3A_252 : i32
      %sign3A_254 = arith.constant 0 : i32
      %sign3A_255 = arith.cmpi sgt, %jit3A, %sign3A_254 : i32
      %sign3A_256 = arith.extui %sign3A_255 : i1 to i32
      %sign3A_257 = arith.constant 0 : i32
      %sign3A_258 = arith.cmpi slt, %jit3A, %sign3A_257 : i32
      %sign3A_259 = arith.extui %sign3A_258 : i1 to i32
      %sign3A_260 = arith.subi %sign3A_256, %sign3A_259 : i32
      %ne3A = arith.cmpi ne, %sign3A_253, %sign3A_260 : i32
      %rem3A = arith.remsi %scan3A_246, %jit3A : i32
      %ne3A_261 = arith.constant 0 : i32
      %ne3A_262 = arith.cmpi ne, %rem3A, %ne3A_261 : i32
      %and3A = arith.andi %ne3A, %ne3A_262 : i1
      %sub3A = arith.constant 1 : i32
      %sub3A_263 = arith.subi %div3A, %sub3A : i32
      %select_n3A = arith.select %and3A, %sub3A_263, %div3A : i32
      %jit3A_264 = arith.constant 4 : i32
      %eq3A = arith.constant 0 : i32
      %eq3A_265 = arith.cmpi eq, %jit3A_264, %eq3A : i32
      %jit3A_266 = arith.constant 1 : i32
      %select_n3A_267 = arith.select %eq3A_265, %jit3A_266, %jit3A_264 : i32
      %rem3A_268 = arith.remsi %scan3A_246, %select_n3A_267 : i32
      %ne3A_269 = arith.constant 0 : i32
      %ne3A_270 = arith.cmpi ne, %rem3A_268, %ne3A_269 : i32
      %lt3A = arith.constant 0 : i32
      %lt3A_271 = arith.cmpi slt, %rem3A_268, %lt3A : i32
      %lt3A_272 = arith.constant 0 : i32
      %lt3A_273 = arith.cmpi slt, %select_n3A_267, %lt3A_272 : i32
      %ne3A_274 = arith.xori %lt3A_271, %lt3A_273 : i1
      %and3A_275 = arith.andi %ne3A_274, %ne3A_270 : i1
      %add3A_276 = arith.addi %rem3A_268, %select_n3A_267 : i32
      %select_n3A_277 = arith.select %and3A_275, %add3A_276, %rem3A_268 : i32
      %jit3A_278 = arith.constant 6 : i32
      %eq3A_279 = arith.constant 0 : i32
      %eq3A_280 = arith.cmpi eq, %jit3A_278, %eq3A_279 : i32
      %jit3A_281 = arith.constant 1 : i32
      %select_n3A_282 = arith.select %eq3A_280, %jit3A_281, %jit3A_278 : i32
      %rem3A_283 = arith.remsi %scan3A_246, %select_n3A_282 : i32
      %ne3A_284 = arith.constant 0 : i32
      %ne3A_285 = arith.cmpi ne, %rem3A_283, %ne3A_284 : i32
      %lt3A_286 = arith.constant 0 : i32
      %lt3A_287 = arith.cmpi slt, %rem3A_283, %lt3A_286 : i32
      %lt3A_288 = arith.constant 0 : i32
      %lt3A_289 = arith.cmpi slt, %select_n3A_282, %lt3A_288 : i32
      %ne3A_290 = arith.xori %lt3A_287, %lt3A_289 : i1
      %and3A_291 = arith.andi %ne3A_290, %ne3A_285 : i1
      %add3A_292 = arith.addi %rem3A_283, %select_n3A_282 : i32
      %select_n3A_293 = arith.select %and3A_291, %add3A_292, %rem3A_283 : i32
      %mul3A_294 = arith.constant 16 : i32
      %mul3A_295 = arith.muli %select_n3A_277, %mul3A_294 : i32
      %dma_wait3A_296 = arith.constant 0 : i32
      %dma_wait3A_297 = arith.constant 0 : i32
      %dma_wait3A_298 = tpu.memref_slice %arg8[%select_n3A_293, %dma_wait3A_296, %dma_wait3A_297] : memref<6x16x768xf32, #tpu.memory_space<vmem>> -> memref<1x16x768xf32, #tpu.memory_space<vmem>>
      %dma_wait3A_299 = tpu.memref_squeeze %dma_wait3A_298 : memref<1x16x768xf32, #tpu.memory_space<vmem>> -> memref<16x768xf32, #tpu.memory_space<vmem>>
      %dma_wait3A_300 = tpu.memref_slice %arg6[%select_n3A, %mul3A_295] : memref<24x64xi32, #tpu.memory_space<vmem>> -> memref<1x16xi32, #tpu.memory_space<vmem>>
      %dma_wait3A_301 = tpu.memref_squeeze %dma_wait3A_300 : memref<1x16xi32, #tpu.memory_space<vmem>> -> memref<16xi32, #tpu.memory_space<vmem>>
      %dma_wait3A_302 = arith.constant 0 : i32
      %dma_wait3A_303 = arith.constant 0 : i32
      %dma_wait3A_304 = tpu.memref_slice %arg3[%dma_wait3A_302, %dma_wait3A_303] : memref<1024x768xf32, #tpu.memory_space<hbm>> -> memref<1024x768xf32, #tpu.memory_space<hbm>>
      tpu.wait_indirect_dma semaphore(%arg9 : memref<!tpu.dma_semaphore, #tpu.memory_space<semaphore_mem>>) src(%dma_wait3A_304 : memref<1024x768xf32, #tpu.memory_space<hbm>>) dst(%dma_wait3A_299 : memref<16x768xf32, #tpu.memory_space<vmem>>)
      %sub3A_305 = arith.constant 1 : i32
      %sub3A_306 = arith.subi %scan3A_246, %sub3A_305 : i32
      %jit3A_307 = arith.constant 4 : i32
      %div3A_308 = arith.divsi %sub3A_306, %jit3A_307 : i32
      %sign3A_309 = arith.constant 0 : i32
      %sign3A_310 = arith.cmpi sgt, %sub3A_306, %sign3A_309 : i32
      %sign3A_311 = arith.extui %sign3A_310 : i1 to i32
      %sign3A_312 = arith.constant 0 : i32
      %sign3A_313 = arith.cmpi slt, %sub3A_306, %sign3A_312 : i32
      %sign3A_314 = arith.extui %sign3A_313 : i1 to i32
      %sign3A_315 = arith.subi %sign3A_311, %sign3A_314 : i32
      %sign3A_316 = arith.constant 0 : i32
      %sign3A_317 = arith.cmpi sgt, %jit3A_307, %sign3A_316 : i32
      %sign3A_318 = arith.extui %sign3A_317 : i1 to i32
      %sign3A_319 = arith.constant 0 : i32
      %sign3A_320 = arith.cmpi slt, %jit3A_307, %sign3A_319 : i32
      %sign3A_321 = arith.extui %sign3A_320 : i1 to i32
      %sign3A_322 = arith.subi %sign3A_318, %sign3A_321 : i32
      %ne3A_323 = arith.cmpi ne, %sign3A_315, %sign3A_322 : i32
      %rem3A_324 = arith.remsi %sub3A_306, %jit3A_307 : i32
      %ne3A_325 = arith.constant 0 : i32
      %ne3A_326 = arith.cmpi ne, %rem3A_324, %ne3A_325 : i32
      %and3A_327 = arith.andi %ne3A_323, %ne3A_326 : i1
      %sub3A_328 = arith.constant 1 : i32
      %sub3A_329 = arith.subi %div3A_308, %sub3A_328 : i32
      %select_n3A_330 = arith.select %and3A_327, %sub3A_329, %div3A_308 : i32
      %jit3A_331 = arith.constant 4 : i32
      %eq3A_332 = arith.constant 0 : i32
      %eq3A_333 = arith.cmpi eq, %jit3A_331, %eq3A_332 : i32
      %jit3A_334 = arith.constant 1 : i32
      %select_n3A_335 = arith.select %eq3A_333, %jit3A_334, %jit3A_331 : i32
      %rem3A_336 = arith.remsi %sub3A_306, %select_n3A_335 : i32
      %ne3A_337 = arith.constant 0 : i32
      %ne3A_338 = arith.cmpi ne, %rem3A_336, %ne3A_337 : i32
      %lt3A_339 = arith.constant 0 : i32
      %lt3A_340 = arith.cmpi slt, %rem3A_336, %lt3A_339 : i32
      %lt3A_341 = arith.constant 0 : i32
      %lt3A_342 = arith.cmpi slt, %select_n3A_335, %lt3A_341 : i32
      %ne3A_343 = arith.xori %lt3A_340, %lt3A_342 : i1
      %and3A_344 = arith.andi %ne3A_343, %ne3A_338 : i1
      %add3A_345 = arith.addi %rem3A_336, %select_n3A_335 : i32
      %select_n3A_346 = arith.select %and3A_344, %add3A_345, %rem3A_336 : i32
      %jit3A_347 = arith.constant 6 : i32
      %eq3A_348 = arith.constant 0 : i32
      %eq3A_349 = arith.cmpi eq, %jit3A_347, %eq3A_348 : i32
      %jit3A_350 = arith.constant 1 : i32
      %select_n3A_351 = arith.select %eq3A_349, %jit3A_350, %jit3A_347 : i32
      %rem3A_352 = arith.remsi %sub3A_306, %select_n3A_351 : i32
      %ne3A_353 = arith.constant 0 : i32
      %ne3A_354 = arith.cmpi ne, %rem3A_352, %ne3A_353 : i32
      %lt3A_355 = arith.constant 0 : i32
      %lt3A_356 = arith.cmpi slt, %rem3A_352, %lt3A_355 : i32
      %lt3A_357 = arith.constant 0 : i32
      %lt3A_358 = arith.cmpi slt, %select_n3A_351, %lt3A_357 : i32
      %ne3A_359 = arith.xori %lt3A_356, %lt3A_358 : i1
      %and3A_360 = arith.andi %ne3A_359, %ne3A_354 : i1
      %add3A_361 = arith.addi %rem3A_352, %select_n3A_351 : i32
      %select_n3A_362 = arith.select %and3A_360, %add3A_361, %rem3A_352 : i32
      %mul3A_363 = arith.constant 16 : i32
      %mul3A_364 = arith.muli %select_n3A_346, %mul3A_363 : i32
      %add3A_365 = arith.addi %mul3A_2, %select_n3A_330 : i32
      %dma_wait3A_366 = arith.constant 0 : i32
      %dma_wait3A_367 = arith.constant 0 : i32
      %dma_wait3A_368 = tpu.memref_slice %arg8[%select_n3A_362, %dma_wait3A_366, %dma_wait3A_367] : memref<6x16x768xf32, #tpu.memory_space<vmem>> -> memref<1x16x768xf32, #tpu.memory_space<vmem>>
      %dma_wait3A_369 = tpu.memref_squeeze %dma_wait3A_368 : memref<1x16x768xf32, #tpu.memory_space<vmem>> -> memref<16x768xf32, #tpu.memory_space<vmem>>
      %dma_wait3A_370 = arith.constant 0 : i32
      %dma_wait3A_371 = tpu.memref_slice %arg5[%mul3A_364, %add3A_365, %dma_wait3A_370] : memref<64x768x768xf32, #tpu.memory_space<hbm>> -> memref<16x1x768xf32, #tpu.memory_space<hbm>>
      %dma_wait3A_372 = tpu.memref_squeeze %dma_wait3A_371 : memref<16x1x768xf32, #tpu.memory_space<hbm>> -> memref<16x768xf32, #tpu.memory_space<hbm>>
      %dma_wait3A_373 = arith.constant 0 : i32
      %dma_wait3A_374 = tpu.memref_slice %arg5[%mul3A_364, %add3A_365, %dma_wait3A_373] : memref<64x768x768xf32, #tpu.memory_space<hbm>> -> memref<16x1x768xf32, #tpu.memory_space<hbm>>
      %dma_wait3A_375 = tpu.memref_squeeze %dma_wait3A_374 : memref<16x1x768xf32, #tpu.memory_space<hbm>> -> memref<16x768xf32, #tpu.memory_space<hbm>>
      %dma_wait3A_376 = arith.constant 0 : i32
      %dma_wait3A_377 = arith.constant 0 : i32
      %dma_wait3A_378 = tpu.memref_slice %arg8[%select_n3A_362, %dma_wait3A_376, %dma_wait3A_377] : memref<6x16x768xf32, #tpu.memory_space<vmem>> -> memref<1x16x768xf32, #tpu.memory_space<vmem>>
      %dma_wait3A_379 = tpu.memref_squeeze %dma_wait3A_378 : memref<1x16x768xf32, #tpu.memory_space<vmem>> -> memref<16x768xf32, #tpu.memory_space<vmem>>
      tpu.wait_dma2 semaphore(%arg10 : memref<!tpu.dma_semaphore, #tpu.memory_space<semaphore_mem>>) src(%dma_wait3A_379 : memref<16x768xf32, #tpu.memory_space<vmem>>) dst(%dma_wait3A_375 : memref<16x768xf32, #tpu.memory_space<hbm>>)
      %add3A_380 = arith.constant 5 : i32
      %add3A_381 = arith.addi %scan3A_246, %add3A_380 : i32
      %jit3A_382 = arith.constant 4 : i32
      %div3A_383 = arith.divsi %add3A_381, %jit3A_382 : i32
      %sign3A_384 = arith.constant 0 : i32
      %sign3A_385 = arith.cmpi sgt, %add3A_381, %sign3A_384 : i32
      %sign3A_386 = arith.extui %sign3A_385 : i1 to i32
      %sign3A_387 = arith.constant 0 : i32
      %sign3A_388 = arith.cmpi slt, %add3A_381, %sign3A_387 : i32
      %sign3A_389 = arith.extui %sign3A_388 : i1 to i32
      %sign3A_390 = arith.subi %sign3A_386, %sign3A_389 : i32
      %sign3A_391 = arith.constant 0 : i32
      %sign3A_392 = arith.cmpi sgt, %jit3A_382, %sign3A_391 : i32
      %sign3A_393 = arith.extui %sign3A_392 : i1 to i32
      %sign3A_394 = arith.constant 0 : i32
      %sign3A_395 = arith.cmpi slt, %jit3A_382, %sign3A_394 : i32
      %sign3A_396 = arith.extui %sign3A_395 : i1 to i32
      %sign3A_397 = arith.subi %sign3A_393, %sign3A_396 : i32
      %ne3A_398 = arith.cmpi ne, %sign3A_390, %sign3A_397 : i32
      %rem3A_399 = arith.remsi %add3A_381, %jit3A_382 : i32
      %ne3A_400 = arith.constant 0 : i32
      %ne3A_401 = arith.cmpi ne, %rem3A_399, %ne3A_400 : i32
      %and3A_402 = arith.andi %ne3A_398, %ne3A_401 : i1
      %sub3A_403 = arith.constant 1 : i32
      %sub3A_404 = arith.subi %div3A_383, %sub3A_403 : i32
      %select_n3A_405 = arith.select %and3A_402, %sub3A_404, %div3A_383 : i32
      %jit3A_406 = arith.constant 4 : i32
      %eq3A_407 = arith.constant 0 : i32
      %eq3A_408 = arith.cmpi eq, %jit3A_406, %eq3A_407 : i32
      %jit3A_409 = arith.constant 1 : i32
      %select_n3A_410 = arith.select %eq3A_408, %jit3A_409, %jit3A_406 : i32
      %rem3A_411 = arith.remsi %add3A_381, %select_n3A_410 : i32
      %ne3A_412 = arith.constant 0 : i32
      %ne3A_413 = arith.cmpi ne, %rem3A_411, %ne3A_412 : i32
      %lt3A_414 = arith.constant 0 : i32
      %lt3A_415 = arith.cmpi slt, %rem3A_411, %lt3A_414 : i32
      %lt3A_416 = arith.constant 0 : i32
      %lt3A_417 = arith.cmpi slt, %select_n3A_410, %lt3A_416 : i32
      %ne3A_418 = arith.xori %lt3A_415, %lt3A_417 : i1
      %and3A_419 = arith.andi %ne3A_418, %ne3A_413 : i1
      %add3A_420 = arith.addi %rem3A_411, %select_n3A_410 : i32
      %select_n3A_421 = arith.select %and3A_419, %add3A_420, %rem3A_411 : i32
      %jit3A_422 = arith.constant 6 : i32
      %eq3A_423 = arith.constant 0 : i32
      %eq3A_424 = arith.cmpi eq, %jit3A_422, %eq3A_423 : i32
      %jit3A_425 = arith.constant 1 : i32
      %select_n3A_426 = arith.select %eq3A_424, %jit3A_425, %jit3A_422 : i32
      %rem3A_427 = arith.remsi %add3A_381, %select_n3A_426 : i32
      %ne3A_428 = arith.constant 0 : i32
      %ne3A_429 = arith.cmpi ne, %rem3A_427, %ne3A_428 : i32
      %lt3A_430 = arith.constant 0 : i32
      %lt3A_431 = arith.cmpi slt, %rem3A_427, %lt3A_430 : i32
      %lt3A_432 = arith.constant 0 : i32
      %lt3A_433 = arith.cmpi slt, %select_n3A_426, %lt3A_432 : i32
      %ne3A_434 = arith.xori %lt3A_431, %lt3A_433 : i1
      %and3A_435 = arith.andi %ne3A_434, %ne3A_429 : i1
      %add3A_436 = arith.addi %rem3A_427, %select_n3A_426 : i32
      %select_n3A_437 = arith.select %and3A_435, %add3A_436, %rem3A_427 : i32
      %mul3A_438 = arith.constant 16 : i32
      %mul3A_439 = arith.muli %select_n3A_421, %mul3A_438 : i32
      %dma_start3A_440 = arith.constant 0 : i32
      %dma_start3A_441 = arith.constant 0 : i32
      %dma_start3A_442 = tpu.memref_slice %arg8[%select_n3A_437, %dma_start3A_440, %dma_start3A_441] : memref<6x16x768xf32, #tpu.memory_space<vmem>> -> memref<1x16x768xf32, #tpu.memory_space<vmem>>
      %dma_start3A_443 = tpu.memref_squeeze %dma_start3A_442 : memref<1x16x768xf32, #tpu.memory_space<vmem>> -> memref<16x768xf32, #tpu.memory_space<vmem>>
      %dma_start3A_444 = tpu.memref_slice %arg6[%select_n3A_405, %mul3A_439] : memref<24x64xi32, #tpu.memory_space<vmem>> -> memref<1x16xi32, #tpu.memory_space<vmem>>
      %dma_start3A_445 = tpu.memref_squeeze %dma_start3A_444 : memref<1x16xi32, #tpu.memory_space<vmem>> -> memref<16xi32, #tpu.memory_space<vmem>>
      %dma_start3A_446 = arith.constant 0 : i32
      %dma_start3A_447 = arith.constant 0 : i32
      %dma_start3A_448 = tpu.memref_slice %arg3[%dma_start3A_446, %dma_start3A_447] : memref<1024x768xf32, #tpu.memory_space<hbm>> -> memref<1024x768xf32, #tpu.memory_space<hbm>>
      tpu.enqueue_indirect_dma source(%dma_start3A_448 : memref<1024x768xf32, #tpu.memory_space<hbm>>) target(%dma_start3A_443 : memref<16x768xf32, #tpu.memory_space<vmem>>) offsets(%dma_start3A_445 : memref<16xi32, #tpu.memory_space<vmem>>) semaphore(%arg9 : memref<!tpu.dma_semaphore, #tpu.memory_space<semaphore_mem>>)
      %jit3A_449 = arith.constant 4 : i32
      %div3A_450 = arith.divsi %scan3A_246, %jit3A_449 : i32
      %sign3A_451 = arith.constant 0 : i32
      %sign3A_452 = arith.cmpi sgt, %scan3A_246, %sign3A_451 : i32
      %sign3A_453 = arith.extui %sign3A_452 : i1 to i32
      %sign3A_454 = arith.constant 0 : i32
      %sign3A_455 = arith.cmpi slt, %scan3A_246, %sign3A_454 : i32
      %sign3A_456 = arith.extui %sign3A_455 : i1 to i32
      %sign3A_457 = arith.subi %sign3A_453, %sign3A_456 : i32
      %sign3A_458 = arith.constant 0 : i32
      %sign3A_459 = arith.cmpi sgt, %jit3A_449, %sign3A_458 : i32
      %sign3A_460 = arith.extui %sign3A_459 : i1 to i32
      %sign3A_461 = arith.constant 0 : i32
      %sign3A_462 = arith.cmpi slt, %jit3A_449, %sign3A_461 : i32
      %sign3A_463 = arith.extui %sign3A_462 : i1 to i32
      %sign3A_464 = arith.subi %sign3A_460, %sign3A_463 : i32
      %ne3A_465 = arith.cmpi ne, %sign3A_457, %sign3A_464 : i32
      %rem3A_466 = arith.remsi %scan3A_246, %jit3A_449 : i32
      %ne3A_467 = arith.constant 0 : i32
      %ne3A_468 = arith.cmpi ne, %rem3A_466, %ne3A_467 : i32
      %and3A_469 = arith.andi %ne3A_465, %ne3A_468 : i1
      %sub3A_470 = arith.constant 1 : i32
      %sub3A_471 = arith.subi %div3A_450, %sub3A_470 : i32
      %select_n3A_472 = arith.select %and3A_469, %sub3A_471, %div3A_450 : i32
      %jit3A_473 = arith.constant 6 : i32
      %eq3A_474 = arith.constant 0 : i32
      %eq3A_475 = arith.cmpi eq, %jit3A_473, %eq3A_474 : i32
      %jit3A_476 = arith.constant 1 : i32
      %select_n3A_477 = arith.select %eq3A_475, %jit3A_476, %jit3A_473 : i32
      %rem3A_478 = arith.remsi %scan3A_246, %select_n3A_477 : i32
      %ne3A_479 = arith.constant 0 : i32
      %ne3A_480 = arith.cmpi ne, %rem3A_478, %ne3A_479 : i32
      %lt3A_481 = arith.constant 0 : i32
      %lt3A_482 = arith.cmpi slt, %rem3A_478, %lt3A_481 : i32
      %lt3A_483 = arith.constant 0 : i32
      %lt3A_484 = arith.cmpi slt, %select_n3A_477, %lt3A_483 : i32
      %ne3A_485 = arith.xori %lt3A_482, %lt3A_484 : i1
      %and3A_486 = arith.andi %ne3A_485, %ne3A_480 : i1
      %add3A_487 = arith.addi %rem3A_478, %select_n3A_477 : i32
      %select_n3A_488 = arith.select %and3A_486, %add3A_487, %rem3A_478 : i32
      %scan3A_489 = arith.constant 0 : i32
      %scan3A_490 = arith.constant 0 : i32
      %scan3A_491 = arith.constant 48 : i32
      %scan3A_492 = arith.addi %scan3A_490, %scan3A_491 : i32
      %scan3A_493 = arith.constant 1 : i32
      %scan3A_494 = scf.for %scan3A_570 = %scan3A_490 to %scan3A_492 step %scan3A_493 iter_args(%scan3A_571 = %scan3A_489) -> (i32)  : i32 {
        %mul3A_572 = arith.constant 16 : i32
        %mul3A_573 = arith.muli %scan3A_570, %mul3A_572 : i32
        %get3A = arith.index_cast %select_n3A_472 : i32 to index
        %get3A_574 = arith.index_cast %mul3A_573 : i32 to index
        %get3A_575 = tpu.vector_load %arg7[%get3A, %get3A_574] {strides = array<i32>} : memref<24x768xf32, #tpu.memory_space<vmem>>, vector<1x16xf32>,
        %get3A_576 = vector.shape_cast %get3A_575 : vector<1x16xf32> to vector<16xf32>
        %scan3A_577 = arith.constant 0 : i32
        %scan3A_578 = arith.constant 0 : i32
        %scan3A_579 = arith.constant 16 : i32
        %scan3A_580 = arith.addi %scan3A_578, %scan3A_579 : i32
        %scan3A_581 = arith.constant 8 : i32
        %scan3A_582 = scf.for %scan3A_585 = %scan3A_578 to %scan3A_580 step %scan3A_581 iter_args(%scan3A_586 = %scan3A_577) -> (i32)  : i32 {
          %mul3A_587 = arith.constant 16 : i32
          %mul3A_588 = arith.muli %scan3A_570, %mul3A_587 : i32
          %swap3A = arith.index_cast %select_n3A_488 : i32 to index
          %swap3A_589 = arith.index_cast %scan3A_585 : i32 to index
          %swap3A_590 = arith.index_cast %mul3A_588 : i32 to index
          %swap3A_591 = tpu.vector_load %arg8[%swap3A, %swap3A_589, %swap3A_590] {strides = array<i32>} : memref<6x16x768xf32, #tpu.memory_space<vmem>>, vector<1x1x16xf32>,
          %swap3A_592 = vector.shape_cast %swap3A_591 : vector<1x1x16xf32> to vector<16xf32>
          %swap3A_593 = vector.shape_cast %get3A_576 : vector<16xf32> to vector<1x1x16xf32>
          tpu.vector_store %arg8[%swap3A, %swap3A_589, %swap3A_590], %swap3A_593 {add = true, strides = array<i32>} : memref<6x16x768xf32, #tpu.memory_space<vmem>>, vector<1x1x16xf32>,
          %scan3A_594 = arith.constant 0 : i32
          %scan3A_595 = arith.constant 1 : i32
          %scan3A_596 = arith.addi %scan3A_585, %scan3A_595 : i32
          %mul3A_597 = arith.constant 16 : i32
          %mul3A_598 = arith.muli %scan3A_570, %mul3A_597 : i32
          %swap3A_599 = arith.index_cast %select_n3A_488 : i32 to index
          %swap3A_600 = arith.index_cast %scan3A_596 : i32 to index
          %swap3A_601 = arith.index_cast %mul3A_598 : i32 to index
          %swap3A_602 = tpu.vector_load %arg8[%swap3A_599, %swap3A_600, %swap3A_601] {strides = array<i32>} : memref<6x16x768xf32, #tpu.memory_space<vmem>>, vector<1x1x16xf32>,
          %swap3A_603 = vector.shape_cast %swap3A_602 : vector<1x1x16xf32> to vector<16xf32>
          %swap3A_604 = vector.shape_cast %get3A_576 : vector<16xf32> to vector<1x1x16xf32>
          tpu.vector_store %arg8[%swap3A_599, %swap3A_600, %swap3A_601], %swap3A_604 {add = true, strides = array<i32>} : memref<6x16x768xf32, #tpu.memory_space<vmem>>, vector<1x1x16xf32>,
          %scan3A_605 = arith.constant 0 : i32
          %scan3A_606 = arith.constant 2 : i32
          %scan3A_607 = arith.addi %scan3A_585, %scan3A_606 : i32
          %mul3A_608 = arith.constant 16 : i32
          %mul3A_609 = arith.muli %scan3A_570, %mul3A_608 : i32
          %swap3A_610 = arith.index_cast %select_n3A_488 : i32 to index
          %swap3A_611 = arith.index_cast %scan3A_607 : i32 to index
          %swap3A_612 = arith.index_cast %mul3A_609 : i32 to index
          %swap3A_613 = tpu.vector_load %arg8[%swap3A_610, %swap3A_611, %swap3A_612] {strides = array<i32>} : memref<6x16x768xf32, #tpu.memory_space<vmem>>, vector<1x1x16xf32>,
          %swap3A_614 = vector.shape_cast %swap3A_613 : vector<1x1x16xf32> to vector<16xf32>
          %swap3A_615 = vector.shape_cast %get3A_576 : vector<16xf32> to vector<1x1x16xf32>
          tpu.vector_store %arg8[%swap3A_610, %swap3A_611, %swap3A_612], %swap3A_615 {add = true, strides = array<i32>} : memref<6x16x768xf32, #tpu.memory_space<vmem>>, vector<1x1x16xf32>,
          %scan3A_616 = arith.constant 0 : i32
          %scan3A_617 = arith.constant 3 : i32
          %scan3A_618 = arith.addi %scan3A_585, %scan3A_617 : i32
          %mul3A_619 = arith.constant 16 : i32
          %mul3A_620 = arith.muli %scan3A_570, %mul3A_619 : i32
          %swap3A_621 = arith.index_cast %select_n3A_488 : i32 to index
          %swap3A_622 = arith.index_cast %scan3A_618 : i32 to index
          %swap3A_623 = arith.index_cast %mul3A_620 : i32 to index
          %swap3A_624 = tpu.vector_load %arg8[%swap3A_621, %swap3A_622, %swap3A_623] {strides = array<i32>} : memref<6x16x768xf32, #tpu.memory_space<vmem>>, vector<1x1x16xf32>,
          %swap3A_625 = vector.shape_cast %swap3A_624 : vector<1x1x16xf32> to vector<16xf32>
          %swap3A_626 = vector.shape_cast %get3A_576 : vector<16xf32> to vector<1x1x16xf32>
          tpu.vector_store %arg8[%swap3A_621, %swap3A_622, %swap3A_623], %swap3A_626 {add = true, strides = array<i32>} : memref<6x16x768xf32, #tpu.memory_space<vmem>>, vector<1x1x16xf32>,
          %scan3A_627 = arith.constant 0 : i32
          %scan3A_628 = arith.constant 4 : i32
          %scan3A_629 = arith.addi %scan3A_585, %scan3A_628 : i32
          %mul3A_630 = arith.constant 16 : i32
          %mul3A_631 = arith.muli %scan3A_570, %mul3A_630 : i32
          %swap3A_632 = arith.index_cast %select_n3A_488 : i32 to index
          %swap3A_633 = arith.index_cast %scan3A_629 : i32 to index
          %swap3A_634 = arith.index_cast %mul3A_631 : i32 to index
          %swap3A_635 = tpu.vector_load %arg8[%swap3A_632, %swap3A_633, %swap3A_634] {strides = array<i32>} : memref<6x16x768xf32, #tpu.memory_space<vmem>>, vector<1x1x16xf32>,
          %swap3A_636 = vector.shape_cast %swap3A_635 : vector<1x1x16xf32> to vector<16xf32>
          %swap3A_637 = vector.shape_cast %get3A_576 : vector<16xf32> to vector<1x1x16xf32>
          tpu.vector_store %arg8[%swap3A_632, %swap3A_633, %swap3A_634], %swap3A_637 {add = true, strides = array<i32>} : memref<6x16x768xf32, #tpu.memory_space<vmem>>, vector<1x1x16xf32>,
          %scan3A_638 = arith.constant 0 : i32
          %scan3A_639 = arith.constant 5 : i32
          %scan3A_640 = arith.addi %scan3A_585, %scan3A_639 : i32
          %mul3A_641 = arith.constant 16 : i32
          %mul3A_642 = arith.muli %scan3A_570, %mul3A_641 : i32
          %swap3A_643 = arith.index_cast %select_n3A_488 : i32 to index
          %swap3A_644 = arith.index_cast %scan3A_640 : i32 to index
          %swap3A_645 = arith.index_cast %mul3A_642 : i32 to index
          %swap3A_646 = tpu.vector_load %arg8[%swap3A_643, %swap3A_644, %swap3A_645] {strides = array<i32>} : memref<6x16x768xf32, #tpu.memory_space<vmem>>, vector<1x1x16xf32>,
          %swap3A_647 = vector.shape_cast %swap3A_646 : vector<1x1x16xf32> to vector<16xf32>
          %swap3A_648 = vector.shape_cast %get3A_576 : vector<16xf32> to vector<1x1x16xf32>
          tpu.vector_store %arg8[%swap3A_643, %swap3A_644, %swap3A_645], %swap3A_648 {add = true, strides = array<i32>} : memref<6x16x768xf32, #tpu.memory_space<vmem>>, vector<1x1x16xf32>,
          %scan3A_649 = arith.constant 0 : i32
          %scan3A_650 = arith.constant 6 : i32
          %scan3A_651 = arith.addi %scan3A_585, %scan3A_650 : i32
          %mul3A_652 = arith.constant 16 : i32
          %mul3A_653 = arith.muli %scan3A_570, %mul3A_652 : i32
          %swap3A_654 = arith.index_cast %select_n3A_488 : i32 to index
          %swap3A_655 = arith.index_cast %scan3A_651 : i32 to index
          %swap3A_656 = arith.index_cast %mul3A_653 : i32 to index
          %swap3A_657 = tpu.vector_load %arg8[%swap3A_654, %swap3A_655, %swap3A_656] {strides = array<i32>} : memref<6x16x768xf32, #tpu.memory_space<vmem>>, vector<1x1x16xf32>,
          %swap3A_658 = vector.shape_cast %swap3A_657 : vector<1x1x16xf32> to vector<16xf32>
          %swap3A_659 = vector.shape_cast %get3A_576 : vector<16xf32> to vector<1x1x16xf32>
          tpu.vector_store %arg8[%swap3A_654, %swap3A_655, %swap3A_656], %swap3A_659 {add = true, strides = array<i32>} : memref<6x16x768xf32, #tpu.memory_space<vmem>>, vector<1x1x16xf32>,
          %scan3A_660 = arith.constant 0 : i32
          %scan3A_661 = arith.constant 7 : i32
          %scan3A_662 = arith.addi %scan3A_585, %scan3A_661 : i32
          %mul3A_663 = arith.constant 16 : i32
          %mul3A_664 = arith.muli %scan3A_570, %mul3A_663 : i32
          %swap3A_665 = arith.index_cast %select_n3A_488 : i32 to index
          %swap3A_666 = arith.index_cast %scan3A_662 : i32 to index
          %swap3A_667 = arith.index_cast %mul3A_664 : i32 to index
          %swap3A_668 = tpu.vector_load %arg8[%swap3A_665, %swap3A_666, %swap3A_667] {strides = array<i32>} : memref<6x16x768xf32, #tpu.memory_space<vmem>>, vector<1x1x16xf32>,
          %swap3A_669 = vector.shape_cast %swap3A_668 : vector<1x1x16xf32> to vector<16xf32>
          %swap3A_670 = vector.shape_cast %get3A_576 : vector<16xf32> to vector<1x1x16xf32>
          tpu.vector_store %arg8[%swap3A_665, %swap3A_666, %swap3A_667], %swap3A_670 {add = true, strides = array<i32>} : memref<6x16x768xf32, #tpu.memory_space<vmem>>, vector<1x1x16xf32>,
          %scan3A_671 = arith.constant 0 : i32
          scf.yield %scan3A_671 : i32
        }
        %scan3A_583 = arith.constant 16 : i32
        %scan3A_584 = arith.constant 0 : i32
        scf.yield %scan3A_584 : i32
      }
      %scan3A_495 = arith.constant 48 : i32
      %jit3A_496 = arith.constant 4 : i32
      %div3A_497 = arith.divsi %scan3A_246, %jit3A_496 : i32
      %sign3A_498 = arith.constant 0 : i32
      %sign3A_499 = arith.cmpi sgt, %scan3A_246, %sign3A_498 : i32
      %sign3A_500 = arith.extui %sign3A_499 : i1 to i32
      %sign3A_501 = arith.constant 0 : i32
      %sign3A_502 = arith.cmpi slt, %scan3A_246, %sign3A_501 : i32
      %sign3A_503 = arith.extui %sign3A_502 : i1 to i32
      %sign3A_504 = arith.subi %sign3A_500, %sign3A_503 : i32
      %sign3A_505 = arith.constant 0 : i32
      %sign3A_506 = arith.cmpi sgt, %jit3A_496, %sign3A_505 : i32
      %sign3A_507 = arith.extui %sign3A_506 : i1 to i32
      %sign3A_508 = arith.constant 0 : i32
      %sign3A_509 = arith.cmpi slt, %jit3A_496, %sign3A_508 : i32
      %sign3A_510 = arith.extui %sign3A_509 : i1 to i32
      %sign3A_511 = arith.subi %sign3A_507, %sign3A_510 : i32
      %ne3A_512 = arith.cmpi ne, %sign3A_504, %sign3A_511 : i32
      %rem3A_513 = arith.remsi %scan3A_246, %jit3A_496 : i32
      %ne3A_514 = arith.constant 0 : i32
      %ne3A_515 = arith.cmpi ne, %rem3A_513, %ne3A_514 : i32
      %and3A_516 = arith.andi %ne3A_512, %ne3A_515 : i1
      %sub3A_517 = arith.constant 1 : i32
      %sub3A_518 = arith.subi %div3A_497, %sub3A_517 : i32
      %select_n3A_519 = arith.select %and3A_516, %sub3A_518, %div3A_497 : i32
      %jit3A_520 = arith.constant 4 : i32
      %eq3A_521 = arith.constant 0 : i32
      %eq3A_522 = arith.cmpi eq, %jit3A_520, %eq3A_521 : i32
      %jit3A_523 = arith.constant 1 : i32
      %select_n3A_524 = arith.select %eq3A_522, %jit3A_523, %jit3A_520 : i32
      %rem3A_525 = arith.remsi %scan3A_246, %select_n3A_524 : i32
      %ne3A_526 = arith.constant 0 : i32
      %ne3A_527 = arith.cmpi ne, %rem3A_525, %ne3A_526 : i32
      %lt3A_528 = arith.constant 0 : i32
      %lt3A_529 = arith.cmpi slt, %rem3A_525, %lt3A_528 : i32
      %lt3A_530 = arith.constant 0 : i32
      %lt3A_531 = arith.cmpi slt, %select_n3A_524, %lt3A_530 : i32
      %ne3A_532 = arith.xori %lt3A_529, %lt3A_531 : i1
      %and3A_533 = arith.andi %ne3A_532, %ne3A_527 : i1
      %add3A_534 = arith.addi %rem3A_525, %select_n3A_524 : i32
      %select_n3A_535 = arith.select %and3A_533, %add3A_534, %rem3A_525 : i32
      %jit3A_536 = arith.constant 6 : i32
      %eq3A_537 = arith.constant 0 : i32
      %eq3A_538 = arith.cmpi eq, %jit3A_536, %eq3A_537 : i32
      %jit3A_539 = arith.constant 1 : i32
      %select_n3A_540 = arith.select %eq3A_538, %jit3A_539, %jit3A_536 : i32
      %rem3A_541 = arith.remsi %scan3A_246, %select_n3A_540 : i32
      %ne3A_542 = arith.constant 0 : i32
      %ne3A_543 = arith.cmpi ne, %rem3A_541, %ne3A_542 : i32
      %lt3A_544 = arith.constant 0 : i32
      %lt3A_545 = arith.cmpi slt, %rem3A_541, %lt3A_544 : i32
      %lt3A_546 = arith.constant 0 : i32
      %lt3A_547 = arith.cmpi slt, %select_n3A_540, %lt3A_546 : i32
      %ne3A_548 = arith.xori %lt3A_545, %lt3A_547 : i1
      %and3A_549 = arith.andi %ne3A_548, %ne3A_543 : i1
      %add3A_550 = arith.addi %rem3A_541, %select_n3A_540 : i32
      %select_n3A_551 = arith.select %and3A_549, %add3A_550, %rem3A_541 : i32
      %mul3A_552 = arith.constant 16 : i32
      %mul3A_553 = arith.muli %select_n3A_535, %mul3A_552 : i32
      %add3A_554 = arith.addi %mul3A_2, %select_n3A_519 : i32
      %dma_start3A_555 = arith.constant 0 : i32
      %dma_start3A_556 = arith.constant 0 : i32
      %dma_start3A_557 = tpu.memref_slice %arg8[%select_n3A_551, %dma_start3A_555, %dma_start3A_556] : memref<6x16x768xf32, #tpu.memory_space<vmem>> -> memref<1x16x768xf32, #tpu.memory_space<vmem>>
      %dma_start3A_558 = tpu.memref_squeeze %dma_start3A_557 : memref<1x16x768xf32, #tpu.memory_space<vmem>> -> memref<16x768xf32, #tpu.memory_space<vmem>>
      %dma_start3A_559 = arith.constant 0 : i32
      %dma_start3A_560 = tpu.memref_slice %arg5[%mul3A_553, %add3A_554, %dma_start3A_559] : memref<64x768x768xf32, #tpu.memory_space<hbm>> -> memref<16x1x768xf32, #tpu.memory_space<hbm>>
      %dma_start3A_561 = tpu.memref_squeeze %dma_start3A_560 : memref<16x1x768xf32, #tpu.memory_space<hbm>> -> memref<16x768xf32, #tpu.memory_space<hbm>>
      %dma_start3A_562 = arith.constant 0 : i32
      %dma_start3A_563 = tpu.memref_slice %arg5[%mul3A_553, %add3A_554, %dma_start3A_562] : memref<64x768x768xf32, #tpu.memory_space<hbm>> -> memref<16x1x768xf32, #tpu.memory_space<hbm>>
      %dma_start3A_564 = tpu.memref_squeeze %dma_start3A_563 : memref<16x1x768xf32, #tpu.memory_space<hbm>> -> memref<16x768xf32, #tpu.memory_space<hbm>>
      %dma_start3A_565 = arith.constant 0 : i32
      %dma_start3A_566 = arith.constant 0 : i32
      %dma_start3A_567 = tpu.memref_slice %arg8[%select_n3A_551, %dma_start3A_565, %dma_start3A_566] : memref<6x16x768xf32, #tpu.memory_space<vmem>> -> memref<1x16x768xf32, #tpu.memory_space<vmem>>
      %dma_start3A_568 = tpu.memref_squeeze %dma_start3A_567 : memref<1x16x768xf32, #tpu.memory_space<vmem>> -> memref<16x768xf32, #tpu.memory_space<vmem>>
      tpu.enqueue_dma source(%dma_start3A_568 : memref<16x768xf32, #tpu.memory_space<vmem>>) target(%dma_start3A_564 : memref<16x768xf32, #tpu.memory_space<hbm>>) target_semaphore(%arg10 : memref<!tpu.dma_semaphore, #tpu.memory_space<semaphore_mem>>)
      %scan3A_569 = arith.constant 0 : i32
      scf.yield %scan3A_569 : i32
    }
    %scan3A_124 = arith.constant 90 : i32
    %scan3A_125 = arith.constant 0 : i32
    %scan3A_126 = arith.constant 91 : i32
    %scan3A_127 = arith.constant 5 : i32
    %scan3A_128 = arith.addi %scan3A_126, %scan3A_127 : i32
    %scan3A_129 = arith.constant 1 : i32
    %scan3A_130 = scf.for %scan3A_246 = %scan3A_126 to %scan3A_128 step %scan3A_129 iter_args(%scan3A_247 = %scan3A_125) -> (i32)  : i32 {
      %jit3A = arith.constant 4 : i32
      %div3A = arith.divsi %scan3A_246, %jit3A : i32
      %sign3A = arith.constant 0 : i32
      %sign3A_248 = arith.cmpi sgt, %scan3A_246, %sign3A : i32
      %sign3A_249 = arith.extui %sign3A_248 : i1 to i32
      %sign3A_250 = arith.constant 0 : i32
      %sign3A_251 = arith.cmpi slt, %scan3A_246, %sign3A_250 : i32
      %sign3A_252 = arith.extui %sign3A_251 : i1 to i32
      %sign3A_253 = arith.subi %sign3A_249, %sign3A_252 : i32
      %sign3A_254 = arith.constant 0 : i32
      %sign3A_255 = arith.cmpi sgt, %jit3A, %sign3A_254 : i32
      %sign3A_256 = arith.extui %sign3A_255 : i1 to i32
      %sign3A_257 = arith.constant 0 : i32
      %sign3A_258 = arith.cmpi slt, %jit3A, %sign3A_257 : i32
      %sign3A_259 = arith.extui %sign3A_258 : i1 to i32
      %sign3A_260 = arith.subi %sign3A_256, %sign3A_259 : i32
      %ne3A = arith.cmpi ne, %sign3A_253, %sign3A_260 : i32
      %rem3A = arith.remsi %scan3A_246, %jit3A : i32
      %ne3A_261 = arith.constant 0 : i32
      %ne3A_262 = arith.cmpi ne, %rem3A, %ne3A_261 : i32
      %and3A = arith.andi %ne3A, %ne3A_262 : i1
      %sub3A = arith.constant 1 : i32
      %sub3A_263 = arith.subi %div3A, %sub3A : i32
      %select_n3A = arith.select %and3A, %sub3A_263, %div3A : i32
      %jit3A_264 = arith.constant 4 : i32
      %eq3A = arith.constant 0 : i32
      %eq3A_265 = arith.cmpi eq, %jit3A_264, %eq3A : i32
      %jit3A_266 = arith.constant 1 : i32
      %select_n3A_267 = arith.select %eq3A_265, %jit3A_266, %jit3A_264 : i32
      %rem3A_268 = arith.remsi %scan3A_246, %select_n3A_267 : i32
      %ne3A_269 = arith.constant 0 : i32
      %ne3A_270 = arith.cmpi ne, %rem3A_268, %ne3A_269 : i32
      %lt3A = arith.constant 0 : i32
      %lt3A_271 = arith.cmpi slt, %rem3A_268, %lt3A : i32
      %lt3A_272 = arith.constant 0 : i32
      %lt3A_273 = arith.cmpi slt, %select_n3A_267, %lt3A_272 : i32
      %ne3A_274 = arith.xori %lt3A_271, %lt3A_273 : i1
      %and3A_275 = arith.andi %ne3A_274, %ne3A_270 : i1
      %add3A_276 = arith.addi %rem3A_268, %select_n3A_267 : i32
      %select_n3A_277 = arith.select %and3A_275, %add3A_276, %rem3A_268 : i32
      %jit3A_278 = arith.constant 6 : i32
      %eq3A_279 = arith.constant 0 : i32
      %eq3A_280 = arith.cmpi eq, %jit3A_278, %eq3A_279 : i32
      %jit3A_281 = arith.constant 1 : i32
      %select_n3A_282 = arith.select %eq3A_280, %jit3A_281, %jit3A_278 : i32
      %rem3A_283 = arith.remsi %scan3A_246, %select_n3A_282 : i32
      %ne3A_284 = arith.constant 0 : i32
      %ne3A_285 = arith.cmpi ne, %rem3A_283, %ne3A_284 : i32
      %lt3A_286 = arith.constant 0 : i32
      %lt3A_287 = arith.cmpi slt, %rem3A_283, %lt3A_286 : i32
      %lt3A_288 = arith.constant 0 : i32
      %lt3A_289 = arith.cmpi slt, %select_n3A_282, %lt3A_288 : i32
      %ne3A_290 = arith.xori %lt3A_287, %lt3A_289 : i1
      %and3A_291 = arith.andi %ne3A_290, %ne3A_285 : i1
      %add3A_292 = arith.addi %rem3A_283, %select_n3A_282 : i32
      %select_n3A_293 = arith.select %and3A_291, %add3A_292, %rem3A_283 : i32
      %mul3A_294 = arith.constant 16 : i32
      %mul3A_295 = arith.muli %select_n3A_277, %mul3A_294 : i32
      %dma_wait3A_296 = arith.constant 0 : i32
      %dma_wait3A_297 = arith.constant 0 : i32
      %dma_wait3A_298 = tpu.memref_slice %arg8[%select_n3A_293, %dma_wait3A_296, %dma_wait3A_297] : memref<6x16x768xf32, #tpu.memory_space<vmem>> -> memref<1x16x768xf32, #tpu.memory_space<vmem>>
      %dma_wait3A_299 = tpu.memref_squeeze %dma_wait3A_298 : memref<1x16x768xf32, #tpu.memory_space<vmem>> -> memref<16x768xf32, #tpu.memory_space<vmem>>
      %dma_wait3A_300 = tpu.memref_slice %arg6[%select_n3A, %mul3A_295] : memref<24x64xi32, #tpu.memory_space<vmem>> -> memref<1x16xi32, #tpu.memory_space<vmem>>
      %dma_wait3A_301 = tpu.memref_squeeze %dma_wait3A_300 : memref<1x16xi32, #tpu.memory_space<vmem>> -> memref<16xi32, #tpu.memory_space<vmem>>
      %dma_wait3A_302 = arith.constant 0 : i32
      %dma_wait3A_303 = arith.constant 0 : i32
      %dma_wait3A_304 = tpu.memref_slice %arg3[%dma_wait3A_302, %dma_wait3A_303] : memref<1024x768xf32, #tpu.memory_space<hbm>> -> memref<1024x768xf32, #tpu.memory_space<hbm>>
      tpu.wait_indirect_dma semaphore(%arg9 : memref<!tpu.dma_semaphore, #tpu.memory_space<semaphore_mem>>) src(%dma_wait3A_304 : memref<1024x768xf32, #tpu.memory_space<hbm>>) dst(%dma_wait3A_299 : memref<16x768xf32, #tpu.memory_space<vmem>>)
      %jit3A_305 = arith.constant 4 : i32
      %div3A_306 = arith.divsi %scan3A_246, %jit3A_305 : i32
      %sign3A_307 = arith.constant 0 : i32
      %sign3A_308 = arith.cmpi sgt, %scan3A_246, %sign3A_307 : i32
      %sign3A_309 = arith.extui %sign3A_308 : i1 to i32
      %sign3A_310 = arith.constant 0 : i32
      %sign3A_311 = arith.cmpi slt, %scan3A_246, %sign3A_310 : i32
      %sign3A_312 = arith.extui %sign3A_311 : i1 to i32
      %sign3A_313 = arith.subi %sign3A_309, %sign3A_312 : i32
      %sign3A_314 = arith.constant 0 : i32
      %sign3A_315 = arith.cmpi sgt, %jit3A_305, %sign3A_314 : i32
      %sign3A_316 = arith.extui %sign3A_315 : i1 to i32
      %sign3A_317 = arith.constant 0 : i32
      %sign3A_318 = arith.cmpi slt, %jit3A_305, %sign3A_317 : i32
      %sign3A_319 = arith.extui %sign3A_318 : i1 to i32
      %sign3A_320 = arith.subi %sign3A_316, %sign3A_319 : i32
      %ne3A_321 = arith.cmpi ne, %sign3A_313, %sign3A_320 : i32
      %rem3A_322 = arith.remsi %scan3A_246, %jit3A_305 : i32
      %ne3A_323 = arith.constant 0 : i32
      %ne3A_324 = arith.cmpi ne, %rem3A_322, %ne3A_323 : i32
      %and3A_325 = arith.andi %ne3A_321, %ne3A_324 : i1
      %sub3A_326 = arith.constant 1 : i32
      %sub3A_327 = arith.subi %div3A_306, %sub3A_326 : i32
      %select_n3A_328 = arith.select %and3A_325, %sub3A_327, %div3A_306 : i32
      %jit3A_329 = arith.constant 6 : i32
      %eq3A_330 = arith.constant 0 : i32
      %eq3A_331 = arith.cmpi eq, %jit3A_329, %eq3A_330 : i32
      %jit3A_332 = arith.constant 1 : i32
      %select_n3A_333 = arith.select %eq3A_331, %jit3A_332, %jit3A_329 : i32
      %rem3A_334 = arith.remsi %scan3A_246, %select_n3A_333 : i32
      %ne3A_335 = arith.constant 0 : i32
      %ne3A_336 = arith.cmpi ne, %rem3A_334, %ne3A_335 : i32
      %lt3A_337 = arith.constant 0 : i32
      %lt3A_338 = arith.cmpi slt, %rem3A_334, %lt3A_337 : i32
      %lt3A_339 = arith.constant 0 : i32
      %lt3A_340 = arith.cmpi slt, %select_n3A_333, %lt3A_339 : i32
      %ne3A_341 = arith.xori %lt3A_338, %lt3A_340 : i1
      %and3A_342 = arith.andi %ne3A_341, %ne3A_336 : i1
      %add3A_343 = arith.addi %rem3A_334, %select_n3A_333 : i32
      %select_n3A_344 = arith.select %and3A_342, %add3A_343, %rem3A_334 : i32
      %scan3A_345 = arith.constant 0 : i32
      %scan3A_346 = arith.constant 0 : i32
      %scan3A_347 = arith.constant 48 : i32
      %scan3A_348 = arith.addi %scan3A_346, %scan3A_347 : i32
      %scan3A_349 = arith.constant 1 : i32
      %scan3A_350 = scf.for %scan3A_426 = %scan3A_346 to %scan3A_348 step %scan3A_349 iter_args(%scan3A_427 = %scan3A_345) -> (i32)  : i32 {
        %mul3A_428 = arith.constant 16 : i32
        %mul3A_429 = arith.muli %scan3A_426, %mul3A_428 : i32
        %get3A = arith.index_cast %select_n3A_328 : i32 to index
        %get3A_430 = arith.index_cast %mul3A_429 : i32 to index
        %get3A_431 = tpu.vector_load %arg7[%get3A, %get3A_430] {strides = array<i32>} : memref<24x768xf32, #tpu.memory_space<vmem>>, vector<1x16xf32>,
        %get3A_432 = vector.shape_cast %get3A_431 : vector<1x16xf32> to vector<16xf32>
        %scan3A_433 = arith.constant 0 : i32
        %scan3A_434 = arith.constant 0 : i32
        %scan3A_435 = arith.constant 16 : i32
        %scan3A_436 = arith.addi %scan3A_434, %scan3A_435 : i32
        %scan3A_437 = arith.constant 8 : i32
        %scan3A_438 = scf.for %scan3A_441 = %scan3A_434 to %scan3A_436 step %scan3A_437 iter_args(%scan3A_442 = %scan3A_433) -> (i32)  : i32 {
          %mul3A_443 = arith.constant 16 : i32
          %mul3A_444 = arith.muli %scan3A_426, %mul3A_443 : i32
          %swap3A = arith.index_cast %select_n3A_344 : i32 to index
          %swap3A_445 = arith.index_cast %scan3A_441 : i32 to index
          %swap3A_446 = arith.index_cast %mul3A_444 : i32 to index
          %swap3A_447 = tpu.vector_load %arg8[%swap3A, %swap3A_445, %swap3A_446] {strides = array<i32>} : memref<6x16x768xf32, #tpu.memory_space<vmem>>, vector<1x1x16xf32>,
          %swap3A_448 = vector.shape_cast %swap3A_447 : vector<1x1x16xf32> to vector<16xf32>
          %swap3A_449 = vector.shape_cast %get3A_432 : vector<16xf32> to vector<1x1x16xf32>
          tpu.vector_store %arg8[%swap3A, %swap3A_445, %swap3A_446], %swap3A_449 {add = true, strides = array<i32>} : memref<6x16x768xf32, #tpu.memory_space<vmem>>, vector<1x1x16xf32>,
          %scan3A_450 = arith.constant 0 : i32
          %scan3A_451 = arith.constant 1 : i32
          %scan3A_452 = arith.addi %scan3A_441, %scan3A_451 : i32
          %mul3A_453 = arith.constant 16 : i32
          %mul3A_454 = arith.muli %scan3A_426, %mul3A_453 : i32
          %swap3A_455 = arith.index_cast %select_n3A_344 : i32 to index
          %swap3A_456 = arith.index_cast %scan3A_452 : i32 to index
          %swap3A_457 = arith.index_cast %mul3A_454 : i32 to index
          %swap3A_458 = tpu.vector_load %arg8[%swap3A_455, %swap3A_456, %swap3A_457] {strides = array<i32>} : memref<6x16x768xf32, #tpu.memory_space<vmem>>, vector<1x1x16xf32>,
          %swap3A_459 = vector.shape_cast %swap3A_458 : vector<1x1x16xf32> to vector<16xf32>
          %swap3A_460 = vector.shape_cast %get3A_432 : vector<16xf32> to vector<1x1x16xf32>
          tpu.vector_store %arg8[%swap3A_455, %swap3A_456, %swap3A_457], %swap3A_460 {add = true, strides = array<i32>} : memref<6x16x768xf32, #tpu.memory_space<vmem>>, vector<1x1x16xf32>,
          %scan3A_461 = arith.constant 0 : i32
          %scan3A_462 = arith.constant 2 : i32
          %scan3A_463 = arith.addi %scan3A_441, %scan3A_462 : i32
          %mul3A_464 = arith.constant 16 : i32
          %mul3A_465 = arith.muli %scan3A_426, %mul3A_464 : i32
          %swap3A_466 = arith.index_cast %select_n3A_344 : i32 to index
          %swap3A_467 = arith.index_cast %scan3A_463 : i32 to index
          %swap3A_468 = arith.index_cast %mul3A_465 : i32 to index
          %swap3A_469 = tpu.vector_load %arg8[%swap3A_466, %swap3A_467, %swap3A_468] {strides = array<i32>} : memref<6x16x768xf32, #tpu.memory_space<vmem>>, vector<1x1x16xf32>,
          %swap3A_470 = vector.shape_cast %swap3A_469 : vector<1x1x16xf32> to vector<16xf32>
          %swap3A_471 = vector.shape_cast %get3A_432 : vector<16xf32> to vector<1x1x16xf32>
          tpu.vector_store %arg8[%swap3A_466, %swap3A_467, %swap3A_468], %swap3A_471 {add = true, strides = array<i32>} : memref<6x16x768xf32, #tpu.memory_space<vmem>>, vector<1x1x16xf32>,
          %scan3A_472 = arith.constant 0 : i32
          %scan3A_473 = arith.constant 3 : i32
          %scan3A_474 = arith.addi %scan3A_441, %scan3A_473 : i32
          %mul3A_475 = arith.constant 16 : i32
          %mul3A_476 = arith.muli %scan3A_426, %mul3A_475 : i32
          %swap3A_477 = arith.index_cast %select_n3A_344 : i32 to index
          %swap3A_478 = arith.index_cast %scan3A_474 : i32 to index
          %swap3A_479 = arith.index_cast %mul3A_476 : i32 to index
          %swap3A_480 = tpu.vector_load %arg8[%swap3A_477, %swap3A_478, %swap3A_479] {strides = array<i32>} : memref<6x16x768xf32, #tpu.memory_space<vmem>>, vector<1x1x16xf32>,
          %swap3A_481 = vector.shape_cast %swap3A_480 : vector<1x1x16xf32> to vector<16xf32>
          %swap3A_482 = vector.shape_cast %get3A_432 : vector<16xf32> to vector<1x1x16xf32>
          tpu.vector_store %arg8[%swap3A_477, %swap3A_478, %swap3A_479], %swap3A_482 {add = true, strides = array<i32>} : memref<6x16x768xf32, #tpu.memory_space<vmem>>, vector<1x1x16xf32>,
          %scan3A_483 = arith.constant 0 : i32
          %scan3A_484 = arith.constant 4 : i32
          %scan3A_485 = arith.addi %scan3A_441, %scan3A_484 : i32
          %mul3A_486 = arith.constant 16 : i32
          %mul3A_487 = arith.muli %scan3A_426, %mul3A_486 : i32
          %swap3A_488 = arith.index_cast %select_n3A_344 : i32 to index
          %swap3A_489 = arith.index_cast %scan3A_485 : i32 to index
          %swap3A_490 = arith.index_cast %mul3A_487 : i32 to index
          %swap3A_491 = tpu.vector_load %arg8[%swap3A_488, %swap3A_489, %swap3A_490] {strides = array<i32>} : memref<6x16x768xf32, #tpu.memory_space<vmem>>, vector<1x1x16xf32>,
          %swap3A_492 = vector.shape_cast %swap3A_491 : vector<1x1x16xf32> to vector<16xf32>
          %swap3A_493 = vector.shape_cast %get3A_432 : vector<16xf32> to vector<1x1x16xf32>
          tpu.vector_store %arg8[%swap3A_488, %swap3A_489, %swap3A_490], %swap3A_493 {add = true, strides = array<i32>} : memref<6x16x768xf32, #tpu.memory_space<vmem>>, vector<1x1x16xf32>,
          %scan3A_494 = arith.constant 0 : i32
          %scan3A_495 = arith.constant 5 : i32
          %scan3A_496 = arith.addi %scan3A_441, %scan3A_495 : i32
          %mul3A_497 = arith.constant 16 : i32
          %mul3A_498 = arith.muli %scan3A_426, %mul3A_497 : i32
          %swap3A_499 = arith.index_cast %select_n3A_344 : i32 to index
          %swap3A_500 = arith.index_cast %scan3A_496 : i32 to index
          %swap3A_501 = arith.index_cast %mul3A_498 : i32 to index
          %swap3A_502 = tpu.vector_load %arg8[%swap3A_499, %swap3A_500, %swap3A_501] {strides = array<i32>} : memref<6x16x768xf32, #tpu.memory_space<vmem>>, vector<1x1x16xf32>,
          %swap3A_503 = vector.shape_cast %swap3A_502 : vector<1x1x16xf32> to vector<16xf32>
          %swap3A_504 = vector.shape_cast %get3A_432 : vector<16xf32> to vector<1x1x16xf32>
          tpu.vector_store %arg8[%swap3A_499, %swap3A_500, %swap3A_501], %swap3A_504 {add = true, strides = array<i32>} : memref<6x16x768xf32, #tpu.memory_space<vmem>>, vector<1x1x16xf32>,
          %scan3A_505 = arith.constant 0 : i32
          %scan3A_506 = arith.constant 6 : i32
          %scan3A_507 = arith.addi %scan3A_441, %scan3A_506 : i32
          %mul3A_508 = arith.constant 16 : i32
          %mul3A_509 = arith.muli %scan3A_426, %mul3A_508 : i32
          %swap3A_510 = arith.index_cast %select_n3A_344 : i32 to index
          %swap3A_511 = arith.index_cast %scan3A_507 : i32 to index
          %swap3A_512 = arith.index_cast %mul3A_509 : i32 to index
          %swap3A_513 = tpu.vector_load %arg8[%swap3A_510, %swap3A_511, %swap3A_512] {strides = array<i32>} : memref<6x16x768xf32, #tpu.memory_space<vmem>>, vector<1x1x16xf32>,
          %swap3A_514 = vector.shape_cast %swap3A_513 : vector<1x1x16xf32> to vector<16xf32>
          %swap3A_515 = vector.shape_cast %get3A_432 : vector<16xf32> to vector<1x1x16xf32>
          tpu.vector_store %arg8[%swap3A_510, %swap3A_511, %swap3A_512], %swap3A_515 {add = true, strides = array<i32>} : memref<6x16x768xf32, #tpu.memory_space<vmem>>, vector<1x1x16xf32>,
          %scan3A_516 = arith.constant 0 : i32
          %scan3A_517 = arith.constant 7 : i32
          %scan3A_518 = arith.addi %scan3A_441, %scan3A_517 : i32
          %mul3A_519 = arith.constant 16 : i32
          %mul3A_520 = arith.muli %scan3A_426, %mul3A_519 : i32
          %swap3A_521 = arith.index_cast %select_n3A_344 : i32 to index
          %swap3A_522 = arith.index_cast %scan3A_518 : i32 to index
          %swap3A_523 = arith.index_cast %mul3A_520 : i32 to index
          %swap3A_524 = tpu.vector_load %arg8[%swap3A_521, %swap3A_522, %swap3A_523] {strides = array<i32>} : memref<6x16x768xf32, #tpu.memory_space<vmem>>, vector<1x1x16xf32>,
          %swap3A_525 = vector.shape_cast %swap3A_524 : vector<1x1x16xf32> to vector<16xf32>
          %swap3A_526 = vector.shape_cast %get3A_432 : vector<16xf32> to vector<1x1x16xf32>
          tpu.vector_store %arg8[%swap3A_521, %swap3A_522, %swap3A_523], %swap3A_526 {add = true, strides = array<i32>} : memref<6x16x768xf32, #tpu.memory_space<vmem>>, vector<1x1x16xf32>,
          %scan3A_527 = arith.constant 0 : i32
          scf.yield %scan3A_527 : i32
        }
        %scan3A_439 = arith.constant 16 : i32
        %scan3A_440 = arith.constant 0 : i32
        scf.yield %scan3A_440 : i32
      }
      %scan3A_351 = arith.constant 48 : i32
      %jit3A_352 = arith.constant 4 : i32
      %div3A_353 = arith.divsi %scan3A_246, %jit3A_352 : i32
      %sign3A_354 = arith.constant 0 : i32
      %sign3A_355 = arith.cmpi sgt, %scan3A_246, %sign3A_354 : i32
      %sign3A_356 = arith.extui %sign3A_355 : i1 to i32
      %sign3A_357 = arith.constant 0 : i32
      %sign3A_358 = arith.cmpi slt, %scan3A_246, %sign3A_357 : i32
      %sign3A_359 = arith.extui %sign3A_358 : i1 to i32
      %sign3A_360 = arith.subi %sign3A_356, %sign3A_359 : i32
      %sign3A_361 = arith.constant 0 : i32
      %sign3A_362 = arith.cmpi sgt, %jit3A_352, %sign3A_361 : i32
      %sign3A_363 = arith.extui %sign3A_362 : i1 to i32
      %sign3A_364 = arith.constant 0 : i32
      %sign3A_365 = arith.cmpi slt, %jit3A_352, %sign3A_364 : i32
      %sign3A_366 = arith.extui %sign3A_365 : i1 to i32
      %sign3A_367 = arith.subi %sign3A_363, %sign3A_366 : i32
      %ne3A_368 = arith.cmpi ne, %sign3A_360, %sign3A_367 : i32
      %rem3A_369 = arith.remsi %scan3A_246, %jit3A_352 : i32
      %ne3A_370 = arith.constant 0 : i32
      %ne3A_371 = arith.cmpi ne, %rem3A_369, %ne3A_370 : i32
      %and3A_372 = arith.andi %ne3A_368, %ne3A_371 : i1
      %sub3A_373 = arith.constant 1 : i32
      %sub3A_374 = arith.subi %div3A_353, %sub3A_373 : i32
      %select_n3A_375 = arith.select %and3A_372, %sub3A_374, %div3A_353 : i32
      %jit3A_376 = arith.constant 4 : i32
      %eq3A_377 = arith.constant 0 : i32
      %eq3A_378 = arith.cmpi eq, %jit3A_376, %eq3A_377 : i32
      %jit3A_379 = arith.constant 1 : i32
      %select_n3A_380 = arith.select %eq3A_378, %jit3A_379, %jit3A_376 : i32
      %rem3A_381 = arith.remsi %scan3A_246, %select_n3A_380 : i32
      %ne3A_382 = arith.constant 0 : i32
      %ne3A_383 = arith.cmpi ne, %rem3A_381, %ne3A_382 : i32
      %lt3A_384 = arith.constant 0 : i32
      %lt3A_385 = arith.cmpi slt, %rem3A_381, %lt3A_384 : i32
      %lt3A_386 = arith.constant 0 : i32
      %lt3A_387 = arith.cmpi slt, %select_n3A_380, %lt3A_386 : i32
      %ne3A_388 = arith.xori %lt3A_385, %lt3A_387 : i1
      %and3A_389 = arith.andi %ne3A_388, %ne3A_383 : i1
      %add3A_390 = arith.addi %rem3A_381, %select_n3A_380 : i32
      %select_n3A_391 = arith.select %and3A_389, %add3A_390, %rem3A_381 : i32
      %jit3A_392 = arith.constant 6 : i32
      %eq3A_393 = arith.constant 0 : i32
      %eq3A_394 = arith.cmpi eq, %jit3A_392, %eq3A_393 : i32
      %jit3A_395 = arith.constant 1 : i32
      %select_n3A_396 = arith.select %eq3A_394, %jit3A_395, %jit3A_392 : i32
      %rem3A_397 = arith.remsi %scan3A_246, %select_n3A_396 : i32
      %ne3A_398 = arith.constant 0 : i32
      %ne3A_399 = arith.cmpi ne, %rem3A_397, %ne3A_398 : i32
      %lt3A_400 = arith.constant 0 : i32
      %lt3A_401 = arith.cmpi slt, %rem3A_397, %lt3A_400 : i32
      %lt3A_402 = arith.constant 0 : i32
      %lt3A_403 = arith.cmpi slt, %select_n3A_396, %lt3A_402 : i32
      %ne3A_404 = arith.xori %lt3A_401, %lt3A_403 : i1
      %and3A_405 = arith.andi %ne3A_404, %ne3A_399 : i1
      %add3A_406 = arith.addi %rem3A_397, %select_n3A_396 : i32
      %select_n3A_407 = arith.select %and3A_405, %add3A_406, %rem3A_397 : i32
      %mul3A_408 = arith.constant 16 : i32
      %mul3A_409 = arith.muli %select_n3A_391, %mul3A_408 : i32
      %add3A_410 = arith.addi %mul3A_2, %select_n3A_375 : i32
      %dma_start3A_411 = arith.constant 0 : i32
      %dma_start3A_412 = arith.constant 0 : i32
      %dma_start3A_413 = tpu.memref_slice %arg8[%select_n3A_407, %dma_start3A_411, %dma_start3A_412] : memref<6x16x768xf32, #tpu.memory_space<vmem>> -> memref<1x16x768xf32, #tpu.memory_space<vmem>>
      %dma_start3A_414 = tpu.memref_squeeze %dma_start3A_413 : memref<1x16x768xf32, #tpu.memory_space<vmem>> -> memref<16x768xf32, #tpu.memory_space<vmem>>
      %dma_start3A_415 = arith.constant 0 : i32
      %dma_start3A_416 = tpu.memref_slice %arg5[%mul3A_409, %add3A_410, %dma_start3A_415] : memref<64x768x768xf32, #tpu.memory_space<hbm>> -> memref<16x1x768xf32, #tpu.memory_space<hbm>>
      %dma_start3A_417 = tpu.memref_squeeze %dma_start3A_416 : memref<16x1x768xf32, #tpu.memory_space<hbm>> -> memref<16x768xf32, #tpu.memory_space<hbm>>
      %dma_start3A_418 = arith.constant 0 : i32
      %dma_start3A_419 = tpu.memref_slice %arg5[%mul3A_409, %add3A_410, %dma_start3A_418] : memref<64x768x768xf32, #tpu.memory_space<hbm>> -> memref<16x1x768xf32, #tpu.memory_space<hbm>>
      %dma_start3A_420 = tpu.memref_squeeze %dma_start3A_419 : memref<16x1x768xf32, #tpu.memory_space<hbm>> -> memref<16x768xf32, #tpu.memory_space<hbm>>
      %dma_start3A_421 = arith.constant 0 : i32
      %dma_start3A_422 = arith.constant 0 : i32
      %dma_start3A_423 = tpu.memref_slice %arg8[%select_n3A_407, %dma_start3A_421, %dma_start3A_422] : memref<6x16x768xf32, #tpu.memory_space<vmem>> -> memref<1x16x768xf32, #tpu.memory_space<vmem>>
      %dma_start3A_424 = tpu.memref_squeeze %dma_start3A_423 : memref<1x16x768xf32, #tpu.memory_space<vmem>> -> memref<16x768xf32, #tpu.memory_space<vmem>>
      tpu.enqueue_dma source(%dma_start3A_424 : memref<16x768xf32, #tpu.memory_space<vmem>>) target(%dma_start3A_420 : memref<16x768xf32, #tpu.memory_space<hbm>>) target_semaphore(%arg10 : memref<!tpu.dma_semaphore, #tpu.memory_space<semaphore_mem>>)
      %scan3A_425 = arith.constant 0 : i32
      scf.yield %scan3A_425 : i32
    }
    %scan3A_131 = arith.constant 5 : i32
    %add3A_132 = arith.constant 22 : i32
    %add3A_133 = arith.addi %mul3A_2, %add3A_132 : i32
    %dma_wait3A_134 = arith.constant 0 : i32
    %dma_wait3A_135 = arith.constant 0 : i32
    %dma_wait3A_136 = arith.constant 0 : i32
    %dma_wait3A_137 = tpu.memref_slice %arg8[%dma_wait3A_134, %dma_wait3A_135, %dma_wait3A_136] : memref<6x16x768xf32, #tpu.memory_space<vmem>> -> memref<1x16x768xf32, #tpu.memory_space<vmem>>
    %dma_wait3A_138 = tpu.memref_squeeze %dma_wait3A_137 : memref<1x16x768xf32, #tpu.memory_space<vmem>> -> memref<16x768xf32, #tpu.memory_space<vmem>>
    %dma_wait3A_139 = arith.constant 32 : i32
    %dma_wait3A_140 = arith.constant 0 : i32
    %dma_wait3A_141 = tpu.memref_slice %arg5[%dma_wait3A_139, %add3A_133, %dma_wait3A_140] : memref<64x768x768xf32, #tpu.memory_space<hbm>> -> memref<16x1x768xf32, #tpu.memory_space<hbm>>
    %dma_wait3A_142 = tpu.memref_squeeze %dma_wait3A_141 : memref<16x1x768xf32, #tpu.memory_space<hbm>> -> memref<16x768xf32, #tpu.memory_space<hbm>>
    %dma_wait3A_143 = arith.constant 32 : i32
    %dma_wait3A_144 = arith.constant 0 : i32
    %dma_wait3A_145 = tpu.memref_slice %arg5[%dma_wait3A_143, %add3A_133, %dma_wait3A_144] : memref<64x768x768xf32, #tpu.memory_space<hbm>> -> memref<16x1x768xf32, #tpu.memory_space<hbm>>
    %dma_wait3A_146 = tpu.memref_squeeze %dma_wait3A_145 : memref<16x1x768xf32, #tpu.memory_space<hbm>> -> memref<16x768xf32, #tpu.memory_space<hbm>>
    %dma_wait3A_147 = arith.constant 0 : i32
    %dma_wait3A_148 = arith.constant 0 : i32
    %dma_wait3A_149 = tpu.memref_slice %arg8[%dma_wait3A_134, %dma_wait3A_147, %dma_wait3A_148] : memref<6x16x768xf32, #tpu.memory_space<vmem>> -> memref<1x16x768xf32, #tpu.memory_space<vmem>>
    %dma_wait3A_150 = tpu.memref_squeeze %dma_wait3A_149 : memref<1x16x768xf32, #tpu.memory_space<vmem>> -> memref<16x768xf32, #tpu.memory_space<vmem>>
    tpu.wait_dma2 semaphore(%arg10 : memref<!tpu.dma_semaphore, #tpu.memory_space<semaphore_mem>>) src(%dma_wait3A_150 : memref<16x768xf32, #tpu.memory_space<vmem>>) dst(%dma_wait3A_146 : memref<16x768xf32, #tpu.memory_space<hbm>>)
    %add3A_151 = arith.constant 22 : i32
    %add3A_152 = arith.addi %mul3A_2, %add3A_151 : i32
    %dma_wait3A_153 = arith.constant 1 : i32
    %dma_wait3A_154 = arith.constant 0 : i32
    %dma_wait3A_155 = arith.constant 0 : i32
    %dma_wait3A_156 = tpu.memref_slice %arg8[%dma_wait3A_153, %dma_wait3A_154, %dma_wait3A_155] : memref<6x16x768xf32, #tpu.memory_space<vmem>> -> memref<1x16x768xf32, #tpu.memory_space<vmem>>
    %dma_wait3A_157 = tpu.memref_squeeze %dma_wait3A_156 : memref<1x16x768xf32, #tpu.memory_space<vmem>> -> memref<16x768xf32, #tpu.memory_space<vmem>>
    %dma_wait3A_158 = arith.constant 48 : i32
    %dma_wait3A_159 = arith.constant 0 : i32
    %dma_wait3A_160 = tpu.memref_slice %arg5[%dma_wait3A_158, %add3A_152, %dma_wait3A_159] : memref<64x768x768xf32, #tpu.memory_space<hbm>> -> memref<16x1x768xf32, #tpu.memory_space<hbm>>
    %dma_wait3A_161 = tpu.memref_squeeze %dma_wait3A_160 : memref<16x1x768xf32, #tpu.memory_space<hbm>> -> memref<16x768xf32, #tpu.memory_space<hbm>>
    %dma_wait3A_162 = arith.constant 48 : i32
    %dma_wait3A_163 = arith.constant 0 : i32
    %dma_wait3A_164 = tpu.memref_slice %arg5[%dma_wait3A_162, %add3A_152, %dma_wait3A_163] : memref<64x768x768xf32, #tpu.memory_space<hbm>> -> memref<16x1x768xf32, #tpu.memory_space<hbm>>
    %dma_wait3A_165 = tpu.memref_squeeze %dma_wait3A_164 : memref<16x1x768xf32, #tpu.memory_space<hbm>> -> memref<16x768xf32, #tpu.memory_space<hbm>>
    %dma_wait3A_166 = arith.constant 0 : i32
    %dma_wait3A_167 = arith.constant 0 : i32
    %dma_wait3A_168 = tpu.memref_slice %arg8[%dma_wait3A_153, %dma_wait3A_166, %dma_wait3A_167] : memref<6x16x768xf32, #tpu.memory_space<vmem>> -> memref<1x16x768xf32, #tpu.memory_space<vmem>>
    %dma_wait3A_169 = tpu.memref_squeeze %dma_wait3A_168 : memref<1x16x768xf32, #tpu.memory_space<vmem>> -> memref<16x768xf32, #tpu.memory_space<vmem>>
    tpu.wait_dma2 semaphore(%arg10 : memref<!tpu.dma_semaphore, #tpu.memory_space<semaphore_mem>>) src(%dma_wait3A_169 : memref<16x768xf32, #tpu.memory_space<vmem>>) dst(%dma_wait3A_165 : memref<16x768xf32, #tpu.memory_space<hbm>>)
    %add3A_170 = arith.constant 23 : i32
    %add3A_171 = arith.addi %mul3A_2, %add3A_170 : i32
    %dma_wait3A_172 = arith.constant 2 : i32
    %dma_wait3A_173 = arith.constant 0 : i32
    %dma_wait3A_174 = arith.constant 0 : i32
    %dma_wait3A_175 = tpu.memref_slice %arg8[%dma_wait3A_172, %dma_wait3A_173, %dma_wait3A_174] : memref<6x16x768xf32, #tpu.memory_space<vmem>> -> memref<1x16x768xf32, #tpu.memory_space<vmem>>
    %dma_wait3A_176 = tpu.memref_squeeze %dma_wait3A_175 : memref<1x16x768xf32, #tpu.memory_space<vmem>> -> memref<16x768xf32, #tpu.memory_space<vmem>>
    %dma_wait3A_177 = arith.constant 0 : i32
    %dma_wait3A_178 = arith.constant 0 : i32
    %dma_wait3A_179 = tpu.memref_slice %arg5[%dma_wait3A_177, %add3A_171, %dma_wait3A_178] : memref<64x768x768xf32, #tpu.memory_space<hbm>> -> memref<16x1x768xf32, #tpu.memory_space<hbm>>
    %dma_wait3A_180 = tpu.memref_squeeze %dma_wait3A_179 : memref<16x1x768xf32, #tpu.memory_space<hbm>> -> memref<16x768xf32, #tpu.memory_space<hbm>>
    %dma_wait3A_181 = arith.constant 0 : i32
    %dma_wait3A_182 = arith.constant 0 : i32
    %dma_wait3A_183 = tpu.memref_slice %arg5[%dma_wait3A_181, %add3A_171, %dma_wait3A_182] : memref<64x768x768xf32, #tpu.memory_space<hbm>> -> memref<16x1x768xf32, #tpu.memory_space<hbm>>
    %dma_wait3A_184 = tpu.memref_squeeze %dma_wait3A_183 : memref<16x1x768xf32, #tpu.memory_space<hbm>> -> memref<16x768xf32, #tpu.memory_space<hbm>>
    %dma_wait3A_185 = arith.constant 0 : i32
    %dma_wait3A_186 = arith.constant 0 : i32
    %dma_wait3A_187 = tpu.memref_slice %arg8[%dma_wait3A_172, %dma_wait3A_185, %dma_wait3A_186] : memref<6x16x768xf32, #tpu.memory_space<vmem>> -> memref<1x16x768xf32, #tpu.memory_space<vmem>>
    %dma_wait3A_188 = tpu.memref_squeeze %dma_wait3A_187 : memref<1x16x768xf32, #tpu.memory_space<vmem>> -> memref<16x768xf32, #tpu.memory_space<vmem>>
    tpu.wait_dma2 semaphore(%arg10 : memref<!tpu.dma_semaphore, #tpu.memory_space<semaphore_mem>>) src(%dma_wait3A_188 : memref<16x768xf32, #tpu.memory_space<vmem>>) dst(%dma_wait3A_184 : memref<16x768xf32, #tpu.memory_space<hbm>>)
    %add3A_189 = arith.constant 23 : i32
    %add3A_190 = arith.addi %mul3A_2, %add3A_189 : i32
    %dma_wait3A_191 = arith.constant 3 : i32
    %dma_wait3A_192 = arith.constant 0 : i32
    %dma_wait3A_193 = arith.constant 0 : i32
    %dma_wait3A_194 = tpu.memref_slice %arg8[%dma_wait3A_191, %dma_wait3A_192, %dma_wait3A_193] : memref<6x16x768xf32, #tpu.memory_space<vmem>> -> memref<1x16x768xf32, #tpu.memory_space<vmem>>
    %dma_wait3A_195 = tpu.memref_squeeze %dma_wait3A_194 : memref<1x16x768xf32, #tpu.memory_space<vmem>> -> memref<16x768xf32, #tpu.memory_space<vmem>>
    %dma_wait3A_196 = arith.constant 16 : i32
    %dma_wait3A_197 = arith.constant 0 : i32
    %dma_wait3A_198 = tpu.memref_slice %arg5[%dma_wait3A_196, %add3A_190, %dma_wait3A_197] : memref<64x768x768xf32, #tpu.memory_space<hbm>> -> memref<16x1x768xf32, #tpu.memory_space<hbm>>
    %dma_wait3A_199 = tpu.memref_squeeze %dma_wait3A_198 : memref<16x1x768xf32, #tpu.memory_space<hbm>> -> memref<16x768xf32, #tpu.memory_space<hbm>>
    %dma_wait3A_200 = arith.constant 16 : i32
    %dma_wait3A_201 = arith.constant 0 : i32
    %dma_wait3A_202 = tpu.memref_slice %arg5[%dma_wait3A_200, %add3A_190, %dma_wait3A_201] : memref<64x768x768xf32, #tpu.memory_space<hbm>> -> memref<16x1x768xf32, #tpu.memory_space<hbm>>
    %dma_wait3A_203 = tpu.memref_squeeze %dma_wait3A_202 : memref<16x1x768xf32, #tpu.memory_space<hbm>> -> memref<16x768xf32, #tpu.memory_space<hbm>>
    %dma_wait3A_204 = arith.constant 0 : i32
    %dma_wait3A_205 = arith.constant 0 : i32
    %dma_wait3A_206 = tpu.memref_slice %arg8[%dma_wait3A_191, %dma_wait3A_204, %dma_wait3A_205] : memref<6x16x768xf32, #tpu.memory_space<vmem>> -> memref<1x16x768xf32, #tpu.memory_space<vmem>>
    %dma_wait3A_207 = tpu.memref_squeeze %dma_wait3A_206 : memref<1x16x768xf32, #tpu.memory_space<vmem>> -> memref<16x768xf32, #tpu.memory_space<vmem>>
    tpu.wait_dma2 semaphore(%arg10 : memref<!tpu.dma_semaphore, #tpu.memory_space<semaphore_mem>>) src(%dma_wait3A_207 : memref<16x768xf32, #tpu.memory_space<vmem>>) dst(%dma_wait3A_203 : memref<16x768xf32, #tpu.memory_space<hbm>>)
    %add3A_208 = arith.constant 23 : i32
    %add3A_209 = arith.addi %mul3A_2, %add3A_208 : i32
    %dma_wait3A_210 = arith.constant 4 : i32
    %dma_wait3A_211 = arith.constant 0 : i32
    %dma_wait3A_212 = arith.constant 0 : i32
    %dma_wait3A_213 = tpu.memref_slice %arg8[%dma_wait3A_210, %dma_wait3A_211, %dma_wait3A_212] : memref<6x16x768xf32, #tpu.memory_space<vmem>> -> memref<1x16x768xf32, #tpu.memory_space<vmem>>
    %dma_wait3A_214 = tpu.memref_squeeze %dma_wait3A_213 : memref<1x16x768xf32, #tpu.memory_space<vmem>> -> memref<16x768xf32, #tpu.memory_space<vmem>>
    %dma_wait3A_215 = arith.constant 32 : i32
    %dma_wait3A_216 = arith.constant 0 : i32
    %dma_wait3A_217 = tpu.memref_slice %arg5[%dma_wait3A_215, %add3A_209, %dma_wait3A_216] : memref<64x768x768xf32, #tpu.memory_space<hbm>> -> memref<16x1x768xf32, #tpu.memory_space<hbm>>
    %dma_wait3A_218 = tpu.memref_squeeze %dma_wait3A_217 : memref<16x1x768xf32, #tpu.memory_space<hbm>> -> memref<16x768xf32, #tpu.memory_space<hbm>>
    %dma_wait3A_219 = arith.constant 32 : i32
    %dma_wait3A_220 = arith.constant 0 : i32
    %dma_wait3A_221 = tpu.memref_slice %arg5[%dma_wait3A_219, %add3A_209, %dma_wait3A_220] : memref<64x768x768xf32, #tpu.memory_space<hbm>> -> memref<16x1x768xf32, #tpu.memory_space<hbm>>
    %dma_wait3A_222 = tpu.memref_squeeze %dma_wait3A_221 : memref<16x1x768xf32, #tpu.memory_space<hbm>> -> memref<16x768xf32, #tpu.memory_space<hbm>>
    %dma_wait3A_223 = arith.constant 0 : i32
    %dma_wait3A_224 = arith.constant 0 : i32
    %dma_wait3A_225 = tpu.memref_slice %arg8[%dma_wait3A_210, %dma_wait3A_223, %dma_wait3A_224] : memref<6x16x768xf32, #tpu.memory_space<vmem>> -> memref<1x16x768xf32, #tpu.memory_space<vmem>>
    %dma_wait3A_226 = tpu.memref_squeeze %dma_wait3A_225 : memref<1x16x768xf32, #tpu.memory_space<vmem>> -> memref<16x768xf32, #tpu.memory_space<vmem>>
    tpu.wait_dma2 semaphore(%arg10 : memref<!tpu.dma_semaphore, #tpu.memory_space<semaphore_mem>>) src(%dma_wait3A_226 : memref<16x768xf32, #tpu.memory_space<vmem>>) dst(%dma_wait3A_222 : memref<16x768xf32, #tpu.memory_space<hbm>>)
    %add3A_227 = arith.constant 23 : i32
    %add3A_228 = arith.addi %mul3A_2, %add3A_227 : i32
    %dma_wait3A_229 = arith.constant 5 : i32
    %dma_wait3A_230 = arith.constant 0 : i32
    %dma_wait3A_231 = arith.constant 0 : i32
    %dma_wait3A_232 = tpu.memref_slice %arg8[%dma_wait3A_229, %dma_wait3A_230, %dma_wait3A_231] : memref<6x16x768xf32, #tpu.memory_space<vmem>> -> memref<1x16x768xf32, #tpu.memory_space<vmem>>
    %dma_wait3A_233 = tpu.memref_squeeze %dma_wait3A_232 : memref<1x16x768xf32, #tpu.memory_space<vmem>> -> memref<16x768xf32, #tpu.memory_space<vmem>>
    %dma_wait3A_234 = arith.constant 48 : i32
    %dma_wait3A_235 = arith.constant 0 : i32
    %dma_wait3A_236 = tpu.memref_slice %arg5[%dma_wait3A_234, %add3A_228, %dma_wait3A_235] : memref<64x768x768xf32, #tpu.memory_space<hbm>> -> memref<16x1x768xf32, #tpu.memory_space<hbm>>
    %dma_wait3A_237 = tpu.memref_squeeze %dma_wait3A_236 : memref<16x1x768xf32, #tpu.memory_space<hbm>> -> memref<16x768xf32, #tpu.memory_space<hbm>>
    %dma_wait3A_238 = arith.constant 48 : i32
    %dma_wait3A_239 = arith.constant 0 : i32
    %dma_wait3A_240 = tpu.memref_slice %arg5[%dma_wait3A_238, %add3A_228, %dma_wait3A_239] : memref<64x768x768xf32, #tpu.memory_space<hbm>> -> memref<16x1x768xf32, #tpu.memory_space<hbm>>
    %dma_wait3A_241 = tpu.memref_squeeze %dma_wait3A_240 : memref<16x1x768xf32, #tpu.memory_space<hbm>> -> memref<16x768xf32, #tpu.memory_space<hbm>>
    %dma_wait3A_242 = arith.constant 0 : i32
    %dma_wait3A_243 = arith.constant 0 : i32
    %dma_wait3A_244 = tpu.memref_slice %arg8[%dma_wait3A_229, %dma_wait3A_242, %dma_wait3A_243] : memref<6x16x768xf32, #tpu.memory_space<vmem>> -> memref<1x16x768xf32, #tpu.memory_space<vmem>>
    %dma_wait3A_245 = tpu.memref_squeeze %dma_wait3A_244 : memref<1x16x768xf32, #tpu.memory_space<vmem>> -> memref<16x768xf32, #tpu.memory_space<vmem>>
    tpu.wait_dma2 semaphore(%arg10 : memref<!tpu.dma_semaphore, #tpu.memory_space<semaphore_mem>>) src(%dma_wait3A_245 : memref<16x768xf32, #tpu.memory_space<vmem>>) dst(%dma_wait3A_241 : memref<16x768xf32, #tpu.memory_space<hbm>>)
    return
  }
}

</mosaic_0001>

<sc_bundles>
// kernel: kernel.3.cloned.1.call-start
scs
__scs_entry_jumppad:
0x0: {  	(pc) =	sbr.rel $0x88, $3  }
0x1: {  	(tag) =	ssettag $0x0;
	lr =	simm.s32 $0x1  }
0x2: {  	[smem:$0x3F9E] =	sst lr;
	_ =	strace $0xD0000000  }
0x3: {  	_ = 	snop  }
0x4: {  	_ = 	snop  }
0x5: {  	_ = 	snop  }
0x6: {  	_ = 	snop  }
0x7: {  	_ = 	snop  }
__scs_overlays_trampoline_lowered:
0x8: {  	[smem:$0x3FAD] =	sst s0  }
0x9: {  	[smem:$0x3FAE] =	sst s1  }
0xa: {  	[smem:$0x3FAF] =	sst s2  }
0xb: {  	[smem:$0x3FB0] =	sst s3  }
0xc: {  	[smem:$0x3FB1] =	sst s4  }
0xd: {  	[smem:$0x3FB2] =	sst s5  }
0xe: {  	[smem:$0x3FB3] =	sst s6  }
0xf: {  	[smem:$0x3FB4] =	sst s7  }
0x10: {  	[smem:$0x3FB5] =	sst s8  }
0x11: {  	[smem:$0x3FB6] =	sst s9;
	s0 =	simm.s32 @!p0 $0x0  }
0x12: {  	s1 =	sld [smem:$0x3F9C];
	s0 =	simm.s32 @p0 $0x1  }
0x13: {  	[smem:$0x3FB7] =	sst s0;
	s0 =	simm.s32 @!p1 $0x0  }
0x14: {  	s2 =	sld [smem:$0x3F9B];
	s0 =	simm.s32 @p1 $0x1  }
0x15: {  	[smem:$0x3FB8] =	sst s0;
	s0 =	simm.s32 @!p2 $0x0  }
0x16: {  	s3 =	sld [smem:$0x3FDB];
	s0 =	simm.s32 @p2 $0x1  }
0x17: {  	s4 =	simm.s32 $0x1BF5;
	[smem:$0x3FBA] =	sst s0  }
0x18: {  	s0 =	sld [smem:$0x3F9D];
	_ =	swait.ge [sflag:s4], $0x0  }
0x19: {  	s7 =	sld [smem:$0x3F9E]  }
0x1a: {  	s8 =	sadd.s32 $0xFFFFE003, lr  }
0x1b: {  	s9 =	sadd.s32 $0xFFFFFEF7, lr;
	s5 =	simm.s32 $0xFFFFFFFF;
	p2 =	slt.u32 s8, $0xFFFFF086  }
0x1c: {  	p1 =	slt.u32 s9, $0xF7A;
	s5 =	simm.s32 @!p2 $0x0  }
0x1d: {  	s5 =	simm.s32 @p1 $0x1;
	p0 =	seq.s32 s7, s2  }
0x1e: {  	s7 =	smul.u32 @!p0 $0xF7A, s2;
	p2 =	seq.s32 @!p0 s5, $0x0  }
0x1f: {  	s9 =	smul.u32 $0xF7A, s1;
	s8 =	simm.s32 @!p0 $0x1BF5;
	p2 =	por !p2, p0  }
0x20: {  	[sflag:s8] =	ssyncset.s32 @!p0 $0xFFFFF086;
	s6 =	sadd.s32 @!p0 s3, s7;
	s7 =	simm.s32 @!p0 $0x108  }
0x21: {  	s3 =	sadd.s32 s3, s9;
	s6 =	sadd.s32 @!p0 $0x88, s6;
	s7 =	simm.s32 @p2 $0x1082  }
0x22: {  	[simem:s7], [sflag:s8] =	dma.local @!p0 [hbm:s6], $0xF7A  }
0x23: {  	s9 =	sor.u32 $0xD0000000, s2;
	s6 =	simm.s32 $0x108;
	_ =	swait.ge @!p0 [sflag:s8], $0x0  }
0x24: {  	s3 =	sadd.s32 $0x88, s3;
	s6 =	simm.s32 @!p1 $0x1082;
	[sflag:s4] =	ssyncset.s32 $0xFFFFF086  }
0x25: {  	[simem:s6], [sflag:s4] =	dma.local [hbm:s3], $0xF7A  }
0x26: {  	[smem:$0x3F9E] =	sst s1;
	(tag) =	ssettag s2;
	_ =	strace s9  }
0x27: {  	s1 =	sld [smem:$0x3FAE]  }
0x28: {  	s2 =	sld [smem:$0x3FAF]  }
0x29: {  	s4 =	sld [smem:$0x3FB1]  }
0x2a: {  	p0 =	seq.s32 s5, $0x0;
	s5 =	sld [smem:$0x3FB2]  }
0x2b: {  	s6 =	sld [smem:$0x3FB3]  }
0x2c: {  	s7 =	sld [smem:$0x3FB4]  }
0x2d: {  	s3 =	simm.s32 $0x108;
	s8 =	sld [smem:$0x3FB5]  }
0x2e: {  	s3 =	simm.s32 @!p0 $0x1082;
	s9 =	sld [smem:$0x3FB6]  }
0x2f: {  	lr =	sadd.s32 s0, s3;
	s0 =	sld [smem:$0x3FAD]  }
0x30: {  	s3 =	sld [smem:$0x3FB0]  }
0x31: {  	[smem:$0x3FB9] =	sst s10  }
0x32: {  	s10 =	sld [smem:$0x3FB7];
	_ =	sdelay $0x3  }
0x33: {  	p0 =	seq.s32 s10, $0x1;
	s10 =	sld [smem:$0x3FB9];
	_ =	sdelay $0x3  }
0x34: {  	[smem:$0x3FB9] =	sst s10  }
0x35: {  	s10 =	sld [smem:$0x3FB8];
	_ =	sdelay $0x3  }
0x36: {  	p1 =	seq.s32 s10, $0x1;
	s10 =	sld [smem:$0x3FB9];
	_ =	sdelay $0x3  }
0x37: {  	[smem:$0x3FB9] =	sst s10  }
0x38: {  	s10 =	sld [smem:$0x3FBA]  }
0x39: {  	_ = 	snop;
	(pc) =	sbr.ind lr, $3  }
0x3a: {  	_ = 	snop  }
0x3b: {  	_ = 	snop  }
0x3c: {  	p2 =	seq.s32 s10, $0x1;
	s10 =	sld [smem:$0x3FB9]  }
0x3d: {  	_ =	shalt  }
0x3e: {  	_ =	shalt  }
0x3f: {  	_ =	shalt  }
0x40: {  	_ =	shalt  }
0x41: {  	_ =	shalt  }
0x42: {  	_ =	shalt  }
0x43: {  	_ =	shalt  }
0x44: {  	_ =	shalt  }
0x45: {  	_ =	shalt  }
0x46: {  	_ =	shalt  }
0x47: {  	_ =	shalt  }
0x48: {  	_ =	shalt  }
0x49: {  	_ =	shalt  }
0x4a: {  	_ =	shalt  }
0x4b: {  	_ =	shalt  }
0x4c: {  	_ =	shalt  }
0x4d: {  	_ =	shalt  }
0x4e: {  	_ =	shalt  }
0x4f: {  	_ =	shalt  }
0x50: {  	_ =	shalt  }
0x51: {  	_ =	shalt  }
0x52: {  	_ =	shalt  }
0x53: {  	_ =	shalt  }
0x54: {  	_ =	shalt  }
0x55: {  	_ =	shalt  }
0x56: {  	_ =	shalt  }
0x57: {  	_ =	shalt  }
0x58: {  	_ =	shalt  }
0x59: {  	_ =	shalt  }
0x5a: {  	_ =	shalt  }
0x5b: {  	_ =	shalt  }
0x5c: {  	_ =	shalt  }
0x5d: {  	_ =	shalt  }
0x5e: {  	_ =	shalt  }
0x5f: {  	_ =	shalt  }
0x60: {  	_ =	shalt  }
0x61: {  	_ =	shalt  }
0x62: {  	_ =	shalt  }
0x63: {  	_ =	shalt  }
0x64: {  	_ =	shalt  }
0x65: {  	_ =	shalt  }
0x66: {  	_ =	shalt  }
0x67: {  	_ =	shalt  }
0x68: {  	_ =	shalt  }
0x69: {  	_ =	shalt  }
0x6a: {  	_ =	shalt  }
0x6b: {  	_ =	shalt  }
0x6c: {  	_ =	shalt  }
0x6d: {  	_ =	shalt  }
0x6e: {  	_ =	shalt  }
0x6f: {  	_ =	shalt  }
0x70: {  	_ =	shalt  }
0x71: {  	_ =	shalt  }
0x72: {  	_ =	shalt  }
0x73: {  	_ =	shalt  }
0x74: {  	_ =	shalt  }
0x75: {  	_ =	shalt  }
0x76: {  	_ =	shalt  }
0x77: {  	_ =	shalt  }
0x78: {  	_ =	shalt  }
0x79: {  	_ =	shalt  }
0x7a: {  	_ =	shalt  }
0x7b: {  	_ =	shalt  }
0x7c: {  	_ =	shalt  }
0x7d: {  	_ =	shalt  }
0x7e: {  	_ =	shalt  }
0x7f: {  	_ =	shalt  }
0x80: {  	_ =	shalt  }
0x81: {  	_ =	shalt  }
0x82: {  	_ =	shalt  }
0x83: {  	_ =	shalt  }
0x84: {  	_ =	shalt  }
0x85: {  	_ =	shalt  }
0x86: {  	_ =	shalt  }
0x87: {  	_ =	shalt  }
.Lfunc_end0:
.L_simem_size_0:
called_computation_lowered:
.L_overlay_start_0:
0x88: {  	s2 =	sld [smem:$0x3FD9]  }
0x89: {  	s3 =	sld [smem:$0x3FFE];
	_ =	sdelay $0x1  }
0x8a: {  	s1 =	srdreg.scid  }
0x8b: {  	s0 =	sand.u32 $0x1, s1  }
0x8c: {  	s17 =	sshll.u32 s0, $0xA;
	s2 =	sadd.s32 s3, s2  }
0x8d: {  	s2 =	sadd.s32 s2, s17  }
0x8e: {  	[smem:$0x3FC5] =	sst s2  }
0x8f: {  	_ = 	snop  }
0x90: {  	s2 =	sld [smem:$0x3FC8]  }
0x91: {  	s18 =	sld [smem:$0x3FC7]  }
0x92: {  	s4 =	sld [smem:$0x3FD0];
	(tm) =	ssettm $0x1  }
0x93: {  	s5 =	sld [smem:$0x3FFB];
	_ =	sdelay $0x3  }
0x94: {  	_ =	strace s5  }
0x95: {  	s5 =	sld [smem:$0x3FFC];
	_ =	sdelay $0x3  }
0x96: {  	_ =	strace s5  }
0x97: {  	s5 =	sld [smem:$0x3FFD];
	_ =	sdelay $0x3  }
0x98: {  	_ =	strace s5  }
0x99: {  	_ =	strace $0x8FFFFFFF  }
0x9a: {  	s19 =	sld [smem:$0x3FDB];
	_ =	sdelay $0x1  }
0x9b: {  	s6 =	simm.s32 $_scs_section_size  }
0x9c: {  	s7 =	simm.s32 $_size__tile_overlayer_lowered;
	s8 =	simm.s32 $_tile_overlayer_lowered  }
0x9d: {  	s22 =	simm.s32 $0x1BFF;
	s21 =	sshll.u32 s8, $0x1;
	s5 =	sadd.s32 s6, s19  }
0x9e: {  	s9 =	simm.s32 $0x0;
	s20 =	sshll.u32 s7, $0x1;
	s7 =	sadd.s32 s21, s5  }
0x9f: {  	[timem:s9], [sflag:s22] =	dma.local [hbm:s7], s20  }
0xa0: {  	_ =	swait.ge [sflag:s22], s20  }
0xa1: {  	s6 =	ssub.s32 $0x0, s20;
	[sflag:s22] =	ssyncset.done $0x0  }
0xa2: {  	[sflag:s22] =	ssyncadd.s32 s6;
	_ =	sdelay $0x1  }
0xa3: {  	s23 =	simm.s32 $0x1B8B  }
0xa4: {  	_ =	swait.ge [sflag:s23], $0x1  }
0xa5: {  	[sflag:s23] =	ssyncset.done $0x0  }
0xa6: {  	s25 =	simm.s32 $0x1B8E;
	s24 =	sld [smem:$0x3FFE];
	[sflag:s23] =	ssyncadd.s32 $0xFFFFFFFF  }
0xa7: {  	s26 =	simm.s32 $execute0_lowered;
	[smem:$0x3FD2] =	sst s25  }
0xa8: {  	s7 =	sshll.u32 s26, $0x1;
	_ =	strace $0x80000046;
	[dreg:$0x1] =	wrdreg $0xFFFFFFFF  }
0xa9: {  	s28 =	simm.s32 $_size_execute0_lowered;
	s5 =	sadd.s32 s5, s7;
	[dreg:$0x0] =	wrdreg $0x0  }
0xaa: {  	s7 =	sshll.u32 s28, $0x1;
	[dreg:$0x2] =	wrdreg s5  }
0xab: {  	[dreg:$0x3] =	wrdreg s7  }
0xac: {  	[dreg:$0x4] =	wrdreg $0xC0  }
0xad: {  	_ =	task [dreg:s9], $0x5FFFF  }
0xae: {  	[dreg:$0x1] =	wrdreg $0xFFFFFFFF  }
0xaf: {  	[dreg:$0x0] =	wrdreg $0x60  }
0xb0: {  	[dreg:$0x2] =	wrdreg s24  }
0xb1: {  	[dreg:$0x3] =	wrdreg s2  }
0xb2: {  	[dreg:$0x4] =	wrdreg s18  }
0xb3: {  	[dreg:$0x5] =	wrdreg s4  }
0xb4: {  	[dreg:$0x6] =	wrdreg $0x9  }
0xb5: {  	_ =	task.clear_ibuf [dreg:s9], $0x7FFFF;
	_ =	strace $0x90000046  }
0xb6: {  	s29 =	simm.s32 $0x9;
	_ =	strace $0x80000048  }
0xb7: {  	_ =	swait.ge [sflag:s29], $0x1  }
0xb8: {  	[sflag:s29] =	ssyncadd.s32 $0xFFFFFFFF  }
0xb9: {  	_ =	strace $0x90000048  }
0xba: {  	_ =	sfence  }
0xbb: {  	s30 =	sld [smem:$0x0];
	_ =	sdelay $0x2  }
0xbc: {  	s31 =	sshll.u32 s1, $0xD;
	s1 =	sshrl.u32 s1, $0x2  }
0xbd: {  	s3 =	sand.u32 $0x4000, s31;
	s1 =	sadd.s32 s1, s30  }
0xbe: {  	s0 =	sor.u32 s3, s0;
	s1 =	sshll.u32 s1, $0x11  }
0xbf: {  	s0 =	sor.u32 s1, s0  }
0xc0: {  	s0 =	sadd.s32 $0x8F2B, s0  }
0xc1: {  	[sflag:s0] =	ssyncadd.remote.s32 $0x1  }
0xc2: {  	_ =	sfence.sel $0xFFFF  }
0xc3: {  	[dreg:$0x0] =	wrdreg $0xFFFFFFFF;
	(pc) =	sbr.abs _section_cstart, $3  }
0xc4: {  	[dreg:$0x1] =	wrdreg $0xFFFFFFFF  }
0xc5: {  	_ =	task.clear_ibuf [dreg:s9], $0x2FFFF;
	_ =	strace $0x9FFFFFFF  }
0xc6: {  	(tm) =	ssettm $0x7FFFFFFF  }
0xc7: {  	_ =	shalt  }
tec
execute0_lowered:
.L_overlay_start_1:
0x0: {  	(tag) =	ssettag $0x1  }
0x1: {  	s0 =	rddreg [dreg:$0x0]  }
0x2: {  	s2 =	srdreg.scid;
	s1 =	rddreg [dreg:$0x1]  }
0x3: {  	s3 =	stileid.u32;
	s7 =	rddreg [dreg:$0x2];
	s5 =	simm.s32 $0x0  }
0x4: {  	s12 =	simm.s32 $0x3;
	s16 =	simm.s32 $0x5C00;
	s21 =	simm.s32 $0x6400  }
0x5: {  	s17 =	simm.s32 $0x6C00;
	s18 =	simm.s32 $0x7400;
	s19 =	simm.s32 $0x7C00  }
0x6: {  	s31 =	simm.s32 $0x1;
	s23 =	simm.s32 $0x2;
	s24 =	simm.s32 $0x80  }
0x7: {  	s25 =	simm.s32 $0x90000;
	s2 =	sand.u32 $0x1, s2;
	s3 =	sshll.u32 s3, $0x1  }
0x8: {  	s13 =	simm.s32 $0x0;
	[smem:$0x7FF] =	sst s5;
	s6 =	sor.u32 s2, s3  }
0x9: {  	s9 =	sadd.s32 $0x200, s1;
	s2 =	ssub.s32 $0x2, s2;
	s4 =	smul.u32 $0x18, s6  }
0xa: {  	s3 =	rddreg [dreg:$0x3];
	s6 =	smul.u32 $0x180, s6;
	s30 =	sshrl.u32 s2, $0x1  }
0xb: {  	_ =	strace $0x80000047;
	s2 =	ssub.s32 s2, s30;
	s8 =	sshrl.u32 s4, $0x3  }
0xc: {  	v2 =	vlaneseq.u32;
	s0 =	sadd.s32 s6, s0;
	s11 =	smax.u32 s2, $0x1;
	s10 =	smul.u32 $0x300, s8  }
0xd: {  	vm0 =	vmmov $0xffff;
	v1 =	vshrl.u32 v2, $0x3;
	s6 =	simm.s32 $0x5400;
	s0 =	sadd.s32 $0x400, s0;
	s8 =	sadd.s32 $0x100, s1  }
0xe: {  	v0 =	vand.u32 $0x7, v2;
	v2 =	vor.u32 $0x8, v2;
	v1 =	vmul.u32 $0x8, v1;
	[dreg:$0x5] =	wrdreg s0;
	s7 =	sadd.s32 s7, s10;
	s10 =	sadd.s32 s3, s10  }
.LBB2_1:
0xf: {  	s0 =	rddreg [dreg:$0x5]  }
0x10: {  	[tilespmem:s5], [sflag:$0x3] =	stream.linear.gather [hbm4b:s0+s5], $0xC00, $0x38;
	[tilespmem:$0x17400] =	vst v63  }
0x11: {  	_ =	swait.ge [sflag:s12], $0xC00  }
0x12: {  	[sflag:s12] =	ssyncset.done $0x0  }
0x13: {  	s20 =	simm.s32 $0xC00;
	[sflag:s12] =	ssyncadd.s32 $0xFFFFF400  }
0x14: {  	[tilespmem:s20], [sflag:$0x2] =	stream.linear.gather [hbm4b:s7+s5], $0x4800, $0x38;
	[tilespmem:$0x17400] =	vst v63  }
0x15: {  	v3 =	vld [tilespmem:$0x0];
	_ =	sdelay $0x4  }
0x16: {  	v4 =	vshrl.u32 v3, $0x3  }
0x17: {  	v4 =	vmul.u32 $0x30, v4  }
0x18: {  	v3 =	vand.u32 $0x7, v3  }
0x19: {  	v3 =	vor.u32 v3, v4  }
0x1a: {  	v4 =	vperm.xlane v3, v0;
	_ =	sdelay $0x1  }
0x1b: {  	v4 =	vadd.s32 v1, v4;
	_ =	sdelay $0x3  }
0x1c: {  	v3 =	vperm.xlane v3, v2  }
0x1d: {  	[tilespmem:s6], [sflag:$0x1] =	stream.indirect_vreg.gather [hbm4b:s1+s5], $0x80, v4, vm0, $0xb8;
	[tilespmem:$0x17400] =	vst v63  }
0x1e: {  	v3 =	vadd.s32 v1, v3  }
0x1f: {  	[tilespmem:s16], [sflag:$0x1] =	stream.indirect_vreg.gather [hbm4b:s8+s5], $0x80, v4, vm0, $0xb8;
	[tilespmem:$0x17400] =	vst v63  }
0x20: {  	_ = 	snop  }
0x21: {  	[tilespmem:s21], [sflag:$0x1] =	stream.indirect_vreg.gather [hbm4b:s9+s5], $0x80, v4, vm0, $0xb8;
	[tilespmem:$0x17400] =	vst v63  }
0x22: {  	_ = 	snop  }
0x23: {  	[tilespmem:s17], [sflag:$0x1] =	stream.indirect_vreg.gather [hbm4b:s1+s5], $0x80, v3, vm0, $0xb8;
	[tilespmem:$0x17400] =	vst v63  }
0x24: {  	_ = 	snop  }
0x25: {  	[tilespmem:s18], [sflag:$0x1] =	stream.indirect_vreg.gather [hbm4b:s8+s5], $0x80, v3, vm0, $0xb8;
	[tilespmem:$0x17400] =	vst v63  }
0x26: {  	_ = 	snop  }
0x27: {  	[tilespmem:s19], [sflag:$0x1] =	stream.indirect_vreg.gather [hbm4b:s9+s5], $0x80, v3, vm0, $0xb8;
	[tilespmem:$0x17400] =	vst v63  }
0x28: {  	v3 =	vld [tilespmem:$0x10];
	_ =	sdelay $0x4  }
0x29: {  	v4 =	vshrl.u32 v3, $0x3  }
0x2a: {  	v4 =	vmul.u32 $0x30, v4  }
0x2b: {  	v3 =	vand.u32 $0x7, v3  }
0x2c: {  	v3 =	vor.u32 v3, v4  }
0x2d: {  	v4 =	vperm.xlane v3, v0;
	_ =	sdelay $0x1  }
0x2e: {  	v4 =	vadd.s32 v1, v4;
	_ =	sdelay $0x3  }
0x2f: {  	s22 =	simm.s32 $0x8400;
	v3 =	vperm.xlane v3, v2  }
0x30: {  	[tilespmem:s22], [sflag:$0x1] =	stream.indirect_vreg.gather [hbm4b:s1+s5], $0x80, v4, vm0, $0xb8;
	[tilespmem:$0x17400] =	vst v63  }
0x31: {  	s26 =	simm.s32 $0x8C00;
	v3 =	vadd.s32 v1, v3  }
0x32: {  	[tilespmem:s26], [sflag:$0x1] =	stream.indirect_vreg.gather [hbm4b:s8+s5], $0x80, v4, vm0, $0xb8;
	[tilespmem:$0x17400] =	vst v63  }
0x33: {  	s28 =	simm.s32 $0x9400  }
0x34: {  	[tilespmem:s28], [sflag:$0x1] =	stream.indirect_vreg.gather [hbm4b:s9+s5], $0x80, v4, vm0, $0xb8;
	[tilespmem:$0x17400] =	vst v63  }
0x35: {  	s29 =	simm.s32 $0x9C00  }
0x36: {  	[tilespmem:s29], [sflag:$0x1] =	stream.indirect_vreg.gather [hbm4b:s1+s5], $0x80, v3, vm0, $0xb8;
	[tilespmem:$0x17400] =	vst v63  }
0x37: {  	s30 =	simm.s32 $0xA400  }
0x38: {  	[tilespmem:s30], [sflag:$0x1] =	stream.indirect_vreg.gather [hbm4b:s8+s5], $0x80, v3, vm0, $0xb8;
	[tilespmem:$0x17400] =	vst v63  }
0x39: {  	s2 =	simm.s32 $0xAC00  }
0x3a: {  	[tilespmem:s2], [sflag:$0x1] =	stream.indirect_vreg.gather [hbm4b:s9+s5], $0x80, v3, vm0, $0xb8;
	[tilespmem:$0x17400] =	vst v63  }
0x3b: {  	v3 =	vld [tilespmem:$0x20];
	_ =	sdelay $0x4  }
0x3c: {  	v4 =	vshrl.u32 v3, $0x3  }
0x3d: {  	v4 =	vmul.u32 $0x30, v4  }
0x3e: {  	v3 =	vand.u32 $0x7, v3  }
0x3f: {  	v3 =	vor.u32 v3, v4  }
0x40: {  	v4 =	vperm.xlane v3, v0;
	_ =	sdelay $0x1  }
0x41: {  	v4 =	vadd.s32 v1, v4;
	_ =	sdelay $0x3  }
0x42: {  	s14 =	simm.s32 $0xB400;
	v3 =	vperm.xlane v3, v2  }
0x43: {  	[tilespmem:s14], [sflag:$0x1] =	stream.indirect_vreg.gather [hbm4b:s1+s5], $0x80, v4, vm0, $0xb8;
	[tilespmem:$0x17400] =	vst v63  }
0x44: {  	s15 =	simm.s32 $0xBC00;
	v3 =	vadd.s32 v1, v3  }
0x45: {  	[tilespmem:s15], [sflag:$0x1] =	stream.indirect_vreg.gather [hbm4b:s8+s5], $0x80, v4, vm0, $0xb8;
	[tilespmem:$0x17400] =	vst v63  }
0x46: {  	s20 =	simm.s32 $0xC400  }
0x47: {  	[tilespmem:s20], [sflag:$0x1] =	stream.indirect_vreg.gather [hbm4b:s9+s5], $0x80, v4, vm0, $0xb8;
	[tilespmem:$0x17400] =	vst v63  }
0x48: {  	s22 =	simm.s32 $0xCC00  }
0x49: {  	[tilespmem:s22], [sflag:$0x1] =	stream.indirect_vreg.gather [hbm4b:s1+s5], $0x80, v3, vm0, $0xb8;
	[tilespmem:$0x17400] =	vst v63  }
0x4a: {  	s26 =	simm.s32 $0xD400  }
0x4b: {  	[tilespmem:s26], [sflag:$0x1] =	stream.indirect_vreg.gather [hbm4b:s8+s5], $0x80, v3, vm0, $0xb8;
	[tilespmem:$0x17400] =	vst v63  }
0x4c: {  	s28 =	simm.s32 $0xDC00  }
0x4d: {  	[tilespmem:s28], [sflag:$0x1] =	stream.indirect_vreg.gather [hbm4b:s9+s5], $0x80, v3, vm0, $0xb8;
	[tilespmem:$0x17400] =	vst v63  }
0x4e: {  	v3 =	vld [tilespmem:$0x30];
	_ =	sdelay $0x4  }
0x4f: {  	v4 =	vshrl.u32 v3, $0x3  }
0x50: {  	v4 =	vmul.u32 $0x30, v4  }
0x51: {  	v3 =	vand.u32 $0x7, v3  }
0x52: {  	v3 =	vor.u32 v3, v4  }
0x53: {  	v4 =	vperm.xlane v3, v0;
	_ =	sdelay $0x1  }
0x54: {  	v4 =	vadd.s32 v1, v4;
	_ =	sdelay $0x3  }
0x55: {  	s29 =	simm.s32 $0xE400;
	v3 =	vperm.xlane v3, v2  }
0x56: {  	[tilespmem:s29], [sflag:$0x1] =	stream.indirect_vreg.gather [hbm4b:s1+s5], $0x80, v4, vm0, $0xb8;
	[tilespmem:$0x17400] =	vst v63  }
0x57: {  	s30 =	simm.s32 $0xEC00;
	v3 =	vadd.s32 v1, v3  }
0x58: {  	[tilespmem:s30], [sflag:$0x1] =	stream.indirect_vreg.gather [hbm4b:s8+s5], $0x80, v4, vm0, $0xb8;
	[tilespmem:$0x17400] =	vst v63  }
0x59: {  	s2 =	simm.s32 $0xF400  }
0x5a: {  	[tilespmem:s2], [sflag:$0x1] =	stream.indirect_vreg.gather [hbm4b:s9+s5], $0x80, v4, vm0, $0xb8;
	[tilespmem:$0x17400] =	vst v63  }
0x5b: {  	s14 =	simm.s32 $0xFC00  }
0x5c: {  	[tilespmem:s14], [sflag:$0x1] =	stream.indirect_vreg.gather [hbm4b:s1+s5], $0x80, v3, vm0, $0xb8;
	[tilespmem:$0x17400] =	vst v63  }
0x5d: {  	s15 =	simm.s32 $0x10400  }
0x5e: {  	[tilespmem:s15], [sflag:$0x1] =	stream.indirect_vreg.gather [hbm4b:s8+s5], $0x80, v3, vm0, $0xb8;
	[tilespmem:$0x17400] =	vst v63  }
0x5f: {  	s20 =	simm.s32 $0x10C00  }
0x60: {  	[tilespmem:s20], [sflag:$0x1] =	stream.indirect_vreg.gather [hbm4b:s9+s5], $0x80, v3, vm0, $0xb8;
	[tilespmem:$0x17400] =	vst v63  }
0x61: {  	v3 =	vld [tilespmem:$0x80];
	_ =	sdelay $0x4  }
0x62: {  	v4 =	vshrl.u32 v3, $0x3  }
0x63: {  	v4 =	vmul.u32 $0x30, v4  }
0x64: {  	v3 =	vand.u32 $0x7, v3  }
0x65: {  	v3 =	vor.u32 v3, v4  }
0x66: {  	v4 =	vperm.xlane v3, v0;
	_ =	sdelay $0x1  }
0x67: {  	v4 =	vadd.s32 v1, v4;
	_ =	sdelay $0x3  }
0x68: {  	s22 =	simm.s32 $0x11400;
	v3 =	vperm.xlane v3, v2  }
0x69: {  	[tilespmem:s22], [sflag:$0x1] =	stream.indirect_vreg.gather [hbm4b:s1+s5], $0x80, v4, vm0, $0xb8;
	[tilespmem:$0x17400] =	vst v63  }
0x6a: {  	s26 =	simm.s32 $0x11C00;
	v3 =	vadd.s32 v1, v3  }
0x6b: {  	[tilespmem:s26], [sflag:$0x1] =	stream.indirect_vreg.gather [hbm4b:s8+s5], $0x80, v4, vm0, $0xb8;
	[tilespmem:$0x17400] =	vst v63  }
0x6c: {  	s28 =	simm.s32 $0x12400  }
0x6d: {  	[tilespmem:s28], [sflag:$0x1] =	stream.indirect_vreg.gather [hbm4b:s9+s5], $0x80, v4, vm0, $0xb8;
	[tilespmem:$0x17400] =	vst v63  }
0x6e: {  	s29 =	simm.s32 $0x12C00  }
0x6f: {  	[tilespmem:s29], [sflag:$0x1] =	stream.indirect_vreg.gather [hbm4b:s1+s5], $0x80, v3, vm0, $0xb8;
	[tilespmem:$0x17400] =	vst v63  }
0x70: {  	s30 =	simm.s32 $0x13400  }
0x71: {  	[tilespmem:s30], [sflag:$0x1] =	stream.indirect_vreg.gather [hbm4b:s8+s5], $0x80, v3, vm0, $0xb8;
	[tilespmem:$0x17400] =	vst v63  }
0x72: {  	s2 =	simm.s32 $0x13C00  }
0x73: {  	[tilespmem:s2], [sflag:$0x1] =	stream.indirect_vreg.gather [hbm4b:s9+s5], $0x80, v3, vm0, $0xb8;
	[tilespmem:$0x17400] =	vst v63  }
0x74: {  	_ =	swait.ge [sflag:s31], $0x3000  }
0x75: {  	[sflag:s31] =	ssyncset.done $0x0  }
0x76: {  	[sflag:s31] =	ssyncadd.s32 $0xFFFFD000  }
0x77: {  	v3 =	vld [tilespmem:$0x90];
	_ =	sdelay $0x4  }
0x78: {  	v4 =	vshrl.u32 v3, $0x3  }
0x79: {  	v4 =	vmul.u32 $0x30, v4  }
0x7a: {  	v3 =	vand.u32 $0x7, v3  }
0x7b: {  	v3 =	vor.u32 v3, v4  }
0x7c: {  	v4 =	vperm.xlane v3, v0;
	_ =	sdelay $0x1  }
0x7d: {  	v4 =	vadd.s32 v1, v4;
	_ =	sdelay $0x3  }
0x7e: {  	s14 =	simm.s32 $0x14400;
	v3 =	vperm.xlane v3, v2  }
0x7f: {  	[tilespmem:s14], [sflag:$0x1] =	stream.indirect_vreg.gather [hbm4b:s1+s5], $0x80, v4, vm0, $0xb8;
	[tilespmem:$0x17400] =	vst v63  }
0x80: {  	s15 =	simm.s32 $0x14C00;
	v3 =	vadd.s32 v1, v3  }
0x81: {  	[tilespmem:s15], [sflag:$0x1] =	stream.indirect_vreg.gather [hbm4b:s8+s5], $0x80, v4, vm0, $0xb8;
	[tilespmem:$0x17400] =	vst v63  }
0x82: {  	s20 =	simm.s32 $0x15400  }
0x83: {  	[tilespmem:s20], [sflag:$0x1] =	stream.indirect_vreg.gather [hbm4b:s9+s5], $0x80, v4, vm0, $0xb8;
	[tilespmem:$0x17400] =	vst v63  }
0x84: {  	s22 =	simm.s32 $0x15C00  }
0x85: {  	[tilespmem:s22], [sflag:$0x1] =	stream.indirect_vreg.gather [hbm4b:s1+s5], $0x80, v3, vm0, $0xb8;
	[tilespmem:$0x17400] =	vst v63  }
0x86: {  	s26 =	simm.s32 $0x16400  }
0x87: {  	[tilespmem:s26], [sflag:$0x1] =	stream.indirect_vreg.gather [hbm4b:s8+s5], $0x80, v3, vm0, $0xb8;
	[tilespmem:$0x17400] =	vst v63  }
0x88: {  	s28 =	simm.s32 $0x16C00  }
0x89: {  	[tilespmem:s28], [sflag:$0x1] =	stream.indirect_vreg.gather [hbm4b:s9+s5], $0x80, v3, vm0, $0xb8;
	[tilespmem:$0x17400] =	vst v63  }
0x8a: {  	_ =	swait.ge [sflag:s23], $0x4800  }
0x8b: {  	s29 =	sand.u32 $0x70, s5;
	s2 =	sand.u32 $0x1C00, s5;
	[sflag:s23] =	ssyncset.done $0x0  }
0x8c: {  	s20 =	sor.u32 s29, s2;
	[sflag:s23] =	ssyncadd.s32 $0xFFFFB800  }
0x8d: {  	v3 =	vld [tilespmem:s20+$0xC00];
	_ =	sdelay $0x4  }
0x8e: {  	[tilespmem:s20+$0x6F80] =	vst.add.f32.msk $0xffff, v3  }
0x8f: {  	[tilespmem:s20+$0x5400] =	vst.add.f32.msk $0xffff, v3  }
0x90: {  	[tilespmem:s20+$0x5480] =	vst.add.f32.msk $0xffff, v3  }
0x91: {  	[tilespmem:s20+$0x5500] =	vst.add.f32.msk $0xffff, v3  }
0x92: {  	[tilespmem:s20+$0x5580] =	vst.add.f32.msk $0xffff, v3  }
0x93: {  	[tilespmem:s20+$0x5600] =	vst.add.f32.msk $0xffff, v3  }
0x94: {  	[tilespmem:s20+$0x5680] =	vst.add.f32.msk $0xffff, v3  }
0x95: {  	[tilespmem:s20+$0x5700] =	vst.add.f32.msk $0xffff, v3  }
0x96: {  	[tilespmem:s20+$0x5780] =	vst.add.f32.msk $0xffff, v3  }
0x97: {  	s0 =	simm.s32 $0x80;
	s30 =	simm.s32 $0x10;
	[tilespmem:s20+$0x6C00] =	vst.add.f32.msk $0xffff, v3  }
0x98: {  	s14 =	sand.u32 $0x70, s30;
	s15 =	sand.u32 $0x1C00, s0;
	s2 =	simm.s32 $0x20;
	[tilespmem:s20+$0x6C80] =	vst.add.f32.msk $0xffff, v3  }
.LBB2_2:
0x99: {  	p0 =	sne.s32 s2, $0x2F0;
	s14 =	sor.u32 s14, s15;
	[tilespmem:s20+$0x6D00] =	vst.add.f32.msk $0xffff, v3  }
0x9a: {  	v4 =	vld [tilespmem:s14+$0xC00]  }
0x9b: {  	[tilespmem:s20+$0x6D80] =	vst.add.f32.msk $0xffff, v3  }
0x9c: {  	[tilespmem:s20+$0x6E00] =	vst.add.f32.msk $0xffff, v3  }
0x9d: {  	[tilespmem:s20+$0x6E80] =	vst.add.f32.msk $0xffff, v3  }
0x9e: {  	[tilespmem:s20+$0x6F00] =	vst.add.f32.msk $0xffff, v3;
	s20 =	smov.u32 s14  }
0x9f: {  	[tilespmem:s20+$0x6F80] =	vst.add.f32.msk $0xffff, v4;
	v3 =	vmov v4  }
0xa0: {  	[tilespmem:s20+$0x5400] =	vst.add.f32.msk $0xffff, v3  }
0xa1: {  	[tilespmem:s20+$0x5480] =	vst.add.f32.msk $0xffff, v3  }
0xa2: {  	[tilespmem:s20+$0x5500] =	vst.add.f32.msk $0xffff, v3  }
0xa3: {  	[tilespmem:s20+$0x5580] =	vst.add.f32.msk $0xffff, v3  }
0xa4: {  	[tilespmem:s20+$0x5600] =	vst.add.f32.msk $0xffff, v3  }
.Ltmp0:
0xa5: {  	[tilespmem:s20+$0x5680] =	vst.add.f32.msk $0xffff, v3;
	(pc) =	sbr.rel @p0 .LBB2_2-.Ltmp0, $4  }
0xa6: {  	[tilespmem:s20+$0x5700] =	vst.add.f32.msk $0xffff, v3  }
0xa7: {  	[tilespmem:s20+$0x5780] =	vst.add.f32.msk $0xffff, v3  }
0xa8: {  	s0 =	sadd.s32 $0x80, s0;
	[tilespmem:s20+$0x6C00] =	vst.add.f32.msk $0xffff, v3  }
0xa9: {  	s15 =	sand.u32 $0x1C00, s0;
	s14 =	sand.u32 $0x70, s2;
	s2 =	sadd.s32 $0x10, s2;
	[tilespmem:s20+$0x6C80] =	vst.add.f32.msk $0xffff, v3  }
0xaa: {  	s0 =	sor.u32 s14, s15;
	[tilespmem:s20+$0x6D00] =	vst.add.f32.msk $0xffff, v3  }
0xab: {  	v4 =	vld [tilespmem:s0+$0xC00]  }
0xac: {  	[tilespmem:s20+$0x6D80] =	vst.add.f32.msk $0xffff, v3  }
0xad: {  	[tilespmem:s20+$0x6E00] =	vst.add.f32.msk $0xffff, v3  }
0xae: {  	[tilespmem:s20+$0x6E80] =	vst.add.f32.msk $0xffff, v3  }
0xaf: {  	[tilespmem:s20+$0x6F00] =	vst.add.f32.msk $0xffff, v3  }
0xb0: {  	[tilespmem:s0+$0x6F80] =	vst.add.f32.msk $0xffff, v4  }
0xb1: {  	[tilespmem:s0+$0x5400] =	vst.add.f32.msk $0xffff, v4  }
0xb2: {  	[tilespmem:s0+$0x5480] =	vst.add.f32.msk $0xffff, v4  }
0xb3: {  	[tilespmem:s0+$0x5500] =	vst.add.f32.msk $0xffff, v4  }
0xb4: {  	[tilespmem:s0+$0x5580] =	vst.add.f32.msk $0xffff, v4  }
0xb5: {  	[tilespmem:s0+$0x5600] =	vst.add.f32.msk $0xffff, v4  }
0xb6: {  	[tilespmem:s0+$0x5680] =	vst.add.f32.msk $0xffff, v4  }
0xb7: {  	[tilespmem:s0+$0x5700] =	vst.add.f32.msk $0xffff, v4  }
0xb8: {  	[tilespmem:s0+$0x5780] =	vst.add.f32.msk $0xffff, v4  }
0xb9: {  	[tilespmem:s0+$0x6C00] =	vst.add.f32.msk $0xffff, v4  }
0xba: {  	[tilespmem:s0+$0x6C80] =	vst.add.f32.msk $0xffff, v4  }
0xbb: {  	[tilespmem:s0+$0x6D00] =	vst.add.f32.msk $0xffff, v4  }
0xbc: {  	[tilespmem:s0+$0x6D80] =	vst.add.f32.msk $0xffff, v4  }
0xbd: {  	[tilespmem:s0+$0x6E00] =	vst.add.f32.msk $0xffff, v4  }
0xbe: {  	[tilespmem:s0+$0x6E80] =	vst.add.f32.msk $0xffff, v4  }
0xbf: {  	[tilespmem:s0+$0x6F00] =	vst.add.f32.msk $0xffff, v4  }
0xc0: {  	[hbm4b:s10+s24] =	stream.strided.scatter [tilespmem:s6], [sflag:$0x2], $0x400, s25, s24, $0x38;
	[tilespmem:$0x17400] =	vst v63  }
0xc1: {  	s26 =	sadd.s32 $0x80, s10;
	s2 =	simm.s32 $0x5800  }
0xc2: {  	[hbm4b:s26+s24] =	stream.strided.scatter [tilespmem:s2], [sflag:$0x2], $0x400, s25, s24, $0x38;
	[tilespmem:$0x17400] =	vst v63  }
0xc3: {  	s28 =	sadd.s32 $0x100, s10  }
0xc4: {  	[hbm4b:s28+s24] =	stream.strided.scatter [tilespmem:s16], [sflag:$0x2], $0x400, s25, s24, $0x38;
	[tilespmem:$0x17400] =	vst v63  }
0xc5: {  	s29 =	sadd.s32 $0x180, s10;
	s30 =	simm.s32 $0x6000  }
0xc6: {  	[hbm4b:s29+s24] =	stream.strided.scatter [tilespmem:s30], [sflag:$0x2], $0x400, s25, s24, $0x38;
	[tilespmem:$0x17400] =	vst v63  }
0xc7: {  	s6 =	sadd.s32 $0x200, s10  }
0xc8: {  	[hbm4b:s6+s24] =	stream.strided.scatter [tilespmem:s21], [sflag:$0x2], $0x400, s25, s24, $0x38;
	[tilespmem:$0x17400] =	vst v63  }
0xc9: {  	s14 =	sadd.s32 $0x280, s10;
	s15 =	simm.s32 $0x6800  }
0xca: {  	[hbm4b:s14+s24] =	stream.strided.scatter [tilespmem:s15], [sflag:$0x2], $0x400, s25, s24, $0x38;
	[tilespmem:$0x17400] =	vst v63  }
0xcb: {  	s16 =	sadd.s32 $0x90000, s10  }
0xcc: {  	[hbm4b:s16+s24] =	stream.strided.scatter [tilespmem:s17], [sflag:$0x2], $0x400, s25, s24, $0x38;
	[tilespmem:$0x17400] =	vst v63  }
0xcd: {  	s20 =	sadd.s32 $0x80, s16;
	s21 =	simm.s32 $0x7000  }
0xce: {  	[hbm4b:s20+s24] =	stream.strided.scatter [tilespmem:s21], [sflag:$0x2], $0x400, s25, s24, $0x38;
	[tilespmem:$0x17400] =	vst v63  }
0xcf: {  	s22 =	sadd.s32 $0x100, s16  }
0xd0: {  	[hbm4b:s22+s24] =	stream.strided.scatter [tilespmem:s18], [sflag:$0x2], $0x400, s25, s24, $0x38;
	[tilespmem:$0x17400] =	vst v63  }
0xd1: {  	s28 =	simm.s32 $0x7800;
	s26 =	sadd.s32 $0x180, s16  }
0xd2: {  	[hbm4b:s26+s24] =	stream.strided.scatter [tilespmem:s28], [sflag:$0x2], $0x400, s25, s24, $0x38;
	[tilespmem:$0x17400] =	vst v63  }
0xd3: {  	s29 =	sadd.s32 $0x200, s16  }
0xd4: {  	[hbm4b:s29+s24] =	stream.strided.scatter [tilespmem:s19], [sflag:$0x2], $0x400, s25, s24, $0x38;
	[tilespmem:$0x17400] =	vst v63  }
0xd5: {  	s0 =	sadd.s32 $0x280, s16;
	s30 =	simm.s32 $0x8000;
	s20 =	simm.s32 $0x1  }
0xd6: {  	[hbm4b:s0+s24] =	stream.strided.scatter [tilespmem:s30], [sflag:$0x2], $0x400, s25, s24, $0x38;
	[tilespmem:$0x17400] =	vst v63  }
.LBB2_4:
0xd7: {  	_ =	swait.ge [sflag:s31], $0x3000  }
0xd8: {  	[sflag:s31] =	ssyncset.done $0x0  }
0xd9: {  	s0 =	sadd.s32 $0x5, s20;
	[sflag:s31] =	ssyncadd.s32 $0xFFFFD000  }
0xda: {  	s2 =	sshll.u32 s0, $0x4;
	s14 =	sshll.u32 s0, $0x5;
	_ =	swait.ge [sflag:s23], $0x3000  }
0xdb: {  	s2 =	sand.u32 $0x30, s2;
	s14 =	sand.u32 $0x1F80, s14;
	[sflag:s23] =	ssyncset.done $0x0  }
0xdc: {  	s2 =	sor.u32 s2, s14;
	[sflag:s23] =	ssyncadd.s32 $0xFFFFD000  }
0xdd: {  	v3 =	vld [tilespmem:s2+$0x0];
	_ =	sdelay $0x2  }
0xde: {  	s2 =	smul.u32 $0xAB, s20;
	_ =	sdelay $0x1  }
0xdf: {  	s22 =	sadd.s32 $0x357, s2;
	v4 =	vshrl.u32 v3, $0x3  }
0xe0: {  	s14 =	sshrl.u32 s22, $0xA;
	v4 =	vmul.u32 $0x30, v4  }
0xe1: {  	s14 =	sand.u32 $0x3F, s14;
	v3 =	vand.u32 $0x7, v3  }
0xe2: {  	s14 =	smul.u32 $0x6, s14;
	v3 =	vor.u32 v3, v4  }
0xe3: {  	v4 =	vperm.xlane v3, v0  }
0xe4: {  	s0 =	ssub.s32 s0, s14  }
0xe5: {  	s0 =	sand.u32 $0xFF, s0;
	v4 =	vadd.s32 v1, v4  }
0xe6: {  	s0 =	smul.u32 $0xC000, s0;
	_ =	sdelay $0x1  }
0xe7: {  	s0 =	sshrl.u32 s0, $0x2  }
0xe8: {  	s15 =	simm.s32 $0x0;
	v3 =	vperm.xlane v3, v2;
	s26 =	sadd.s32 $0x5400, s0  }
0xe9: {  	[tilespmem:s26], [sflag:$0x1] =	stream.indirect_vreg.gather [hbm4b:s1+s15], $0x80, v4, vm0, $0xb8;
	[tilespmem:$0x17400] =	vst v63  }
0xea: {  	v3 =	vadd.s32 v1, v3;
	s6 =	sadd.s32 $0x5C00, s0  }
0xeb: {  	[tilespmem:s6], [sflag:$0x1] =	stream.indirect_vreg.gather [hbm4b:s8+s15], $0x80, v4, vm0, $0xb8;
	[tilespmem:$0x17400] =	vst v63  }
0xec: {  	s16 =	sadd.s32 $0x6400, s0  }
0xed: {  	[tilespmem:s16], [sflag:$0x1] =	stream.indirect_vreg.gather [hbm4b:s9+s15], $0x80, v4, vm0, $0xb8;
	[tilespmem:$0x17400] =	vst v63  }
0xee: {  	s21 =	sadd.s32 $0x6C00, s0  }
0xef: {  	[tilespmem:s21], [sflag:$0x1] =	stream.indirect_vreg.gather [hbm4b:s1+s15], $0x80, v3, vm0, $0xb8;
	[tilespmem:$0x17400] =	vst v63  }
0xf0: {  	s22 =	sadd.s32 $0x7400, s0  }
0xf1: {  	[tilespmem:s22], [sflag:$0x1] =	stream.indirect_vreg.gather [hbm4b:s8+s15], $0x80, v3, vm0, $0xb8;
	[tilespmem:$0x17400] =	vst v63  }
0xf2: {  	s0 =	sadd.s32 $0x7C00, s0;
	s26 =	sshrl.u32 s20, $0x5  }
0xf3: {  	[tilespmem:s0], [sflag:$0x1] =	stream.indirect_vreg.gather [hbm4b:s9+s15], $0x80, v3, vm0, $0xb8;
	[tilespmem:$0x17400] =	vst v63  }
0xf4: {  	s2 =	sshrl.u32 s2, $0xA;
	s0 =	smul.u32 $0x6000, s26  }
0xf5: {  	s2 =	sand.u32 $0x3F, s2;
	s6 =	sshll.u32 s20, $0x5  }
0xf6: {  	s2 =	smul.u32 $0x6, s2;
	s22 =	sand.u32 $0x380, s6;
	s0 =	sshra.s32 s0, $0x2  }
0xf7: {  	s0 =	sor.u32 s22, s0  }
0xf8: {  	s2 =	ssub.s32 s20, s2;
	s14 =	sand.u32 $0x1C00, s15;
	s28 =	sadd.s32 $0xC00, s0  }
0xf9: {  	s2 =	sand.u32 $0xFF, s2;
	s16 =	sand.u32 $0x70, s15;
	s26 =	sadd.s32 s14, s28  }
0xfa: {  	s2 =	smul.u32 $0xC000, s2;
	s15 =	sadd.s32 s16, s26  }
0xfb: {  	v3 =	vld [tilespmem:s15+$0x0]  }
0xfc: {  	s21 =	sshrl.u32 s2, $0x2  }
0xfd: {  	s26 =	sadd.s32 $0x5400, s21  }
0xfe: {  	s0 =	sadd.s32 s14, s26  }
0xff: {  	s30 =	sadd.s32 s16, s0  }
0x100: {  	[tilespmem:s30+$0x0] =	vst.add.f32.msk $0xffff, v3  }
0x101: {  	[tilespmem:s30+$0x80] =	vst.add.f32.msk $0xffff, v3  }
0x102: {  	[tilespmem:s30+$0x100] =	vst.add.f32.msk $0xffff, v3  }
0x103: {  	[tilespmem:s30+$0x180] =	vst.add.f32.msk $0xffff, v3  }
0x104: {  	[tilespmem:s30+$0x200] =	vst.add.f32.msk $0xffff, v3  }
0x105: {  	[tilespmem:s30+$0x280] =	vst.add.f32.msk $0xffff, v3  }
0x106: {  	[tilespmem:s30+$0x300] =	vst.add.f32.msk $0xffff, v3  }
0x107: {  	[tilespmem:s30+$0x380] =	vst.add.f32.msk $0xffff, v3  }
0x108: {  	[tilespmem:s30+$0x1800] =	vst.add.f32.msk $0xffff, v3  }
0x109: {  	[tilespmem:s30+$0x1880] =	vst.add.f32.msk $0xffff, v3  }
0x10a: {  	[tilespmem:s30+$0x1900] =	vst.add.f32.msk $0xffff, v3  }
0x10b: {  	[tilespmem:s30+$0x1980] =	vst.add.f32.msk $0xffff, v3  }
0x10c: {  	s29 =	sshrl.u32 s20, $0x2;
	s2 =	simm.s32 $0x80;
	[tilespmem:s30+$0x1A00] =	vst.add.f32.msk $0xffff, v3  }
0x10d: {  	s14 =	simm.s32 $0x10;
	s15 =	sand.u32 $0x1C00, s2;
	s0 =	simm.s32 $0x20;
	[tilespmem:s30+$0x1A80] =	vst.add.f32.msk $0xffff, v3  }
.LBB2_5:
0x10e: {  	p0 =	sne.s32 s0, $0x2F0;
	s16 =	sand.u32 $0x70, s14;
	s14 =	sadd.s32 s15, s28;
	[tilespmem:s30+$0x1B00] =	vst.add.f32.msk $0xffff, v3  }
0x10f: {  	s6 =	sadd.s32 s16, s14;
	[tilespmem:s30+$0x1B80] =	vst.add.f32.msk $0xffff, v3;
	s14 =	smov.u32 s0  }
0x110: {  	v3 =	vld [tilespmem:s6+$0x0];
	_ =	sdelay $0x2  }
0x111: {  	s6 =	sadd.s32 s15, s26  }
0x112: {  	s30 =	sadd.s32 s16, s6  }
0x113: {  	[tilespmem:s30+$0x0] =	vst.add.f32.msk $0xffff, v3  }
0x114: {  	[tilespmem:s30+$0x80] =	vst.add.f32.msk $0xffff, v3  }
0x115: {  	[tilespmem:s30+$0x100] =	vst.add.f32.msk $0xffff, v3  }
0x116: {  	[tilespmem:s30+$0x180] =	vst.add.f32.msk $0xffff, v3  }
0x117: {  	[tilespmem:s30+$0x200] =	vst.add.f32.msk $0xffff, v3  }
0x118: {  	[tilespmem:s30+$0x280] =	vst.add.f32.msk $0xffff, v3  }
0x119: {  	[tilespmem:s30+$0x300] =	vst.add.f32.msk $0xffff, v3  }
0x11a: {  	[tilespmem:s30+$0x380] =	vst.add.f32.msk $0xffff, v3  }
0x11b: {  	[tilespmem:s30+$0x1800] =	vst.add.f32.msk $0xffff, v3  }
.Ltmp1:
0x11c: {  	[tilespmem:s30+$0x1880] =	vst.add.f32.msk $0xffff, v3;
	(pc) =	sbr.rel @p0 .LBB2_5-.Ltmp1, $4  }
0x11d: {  	[tilespmem:s30+$0x1900] =	vst.add.f32.msk $0xffff, v3  }
0x11e: {  	[tilespmem:s30+$0x1980] =	vst.add.f32.msk $0xffff, v3  }
0x11f: {  	s2 =	sadd.s32 $0x80, s2;
	[tilespmem:s30+$0x1A00] =	vst.add.f32.msk $0xffff, v3  }
0x120: {  	s0 =	sadd.s32 $0x10, s0;
	s15 =	sand.u32 $0x1C00, s2;
	[tilespmem:s30+$0x1A80] =	vst.add.f32.msk $0xffff, v3  }
0x121: {  	s0 =	sand.u32 $0x70, s14;
	s2 =	sadd.s32 s15, s28;
	[tilespmem:s30+$0x1B00] =	vst.add.f32.msk $0xffff, v3  }
0x122: {  	[tilespmem:s30+$0x1B80] =	vst.add.f32.msk $0xffff, v3;
	s2 =	sadd.s32 s0, s2  }
0x123: {  	v3 =	vld [tilespmem:s2+$0x0];
	_ =	sdelay $0x2  }
0x124: {  	s16 =	sadd.s32 s15, s26  }
0x125: {  	s0 =	sadd.s32 s0, s16  }
0x126: {  	[tilespmem:s0+$0x0] =	vst.add.f32.msk $0xffff, v3  }
0x127: {  	[tilespmem:s0+$0x80] =	vst.add.f32.msk $0xffff, v3  }
0x128: {  	[tilespmem:s0+$0x100] =	vst.add.f32.msk $0xffff, v3  }
0x129: {  	[tilespmem:s0+$0x180] =	vst.add.f32.msk $0xffff, v3  }
0x12a: {  	[tilespmem:s0+$0x200] =	vst.add.f32.msk $0xffff, v3  }
0x12b: {  	[tilespmem:s0+$0x280] =	vst.add.f32.msk $0xffff, v3  }
0x12c: {  	[tilespmem:s0+$0x300] =	vst.add.f32.msk $0xffff, v3  }
0x12d: {  	[tilespmem:s0+$0x380] =	vst.add.f32.msk $0xffff, v3  }
0x12e: {  	s28 =	sand.u32 $0x3, s20;
	s6 =	sadd.s32 s4, s29;
	[tilespmem:s0+$0x1800] =	vst.add.f32.msk $0xffff, v3  }
0x12f: {  	s6 =	sshrl.u32 s6, $0x3;
	s2 =	smul.u32 $0x900000, s28;
	[tilespmem:s0+$0x1880] =	vst.add.f32.msk $0xffff, v3  }
0x130: {  	s6 =	smul.u32 $0x1800, s6;
	[tilespmem:s0+$0x1900] =	vst.add.f32.msk $0xffff, v3  }
0x131: {  	[tilespmem:s0+$0x1980] =	vst.add.f32.msk $0xffff, v3  }
0x132: {  	s2 =	sadd.s32 s2, s6;
	[tilespmem:s0+$0x1A00] =	vst.add.f32.msk $0xffff, v3  }
0x133: {  	s2 =	sor.u32 s22, s2;
	[tilespmem:s0+$0x1A80] =	vst.add.f32.msk $0xffff, v3  }
0x134: {  	s2 =	sshrl.u32 s2, $0x3;
	[tilespmem:s0+$0x1B00] =	vst.add.f32.msk $0xffff, v3  }
0x135: {  	[tilespmem:s0+$0x1B80] =	vst.add.f32.msk $0xffff, v3;
	s0 =	sadd.s32 s3, s2  }
0x136: {  	[hbm4b:s0+s24] =	stream.strided.scatter [tilespmem:s26], [sflag:$0x2], $0x400, s25, s24, $0x38;
	[tilespmem:$0x17400] =	vst v63  }
0x137: {  	s29 =	sadd.s32 $0x5800, s21;
	s30 =	sadd.s32 $0x80, s0  }
0x138: {  	[hbm4b:s30+s24] =	stream.strided.scatter [tilespmem:s29], [sflag:$0x2], $0x400, s25, s24, $0x38;
	[tilespmem:$0x17400] =	vst v63  }
0x139: {  	s6 =	sadd.s32 $0x5C00, s21;
	s14 =	sadd.s32 $0x100, s0  }
0x13a: {  	[hbm4b:s14+s24] =	stream.strided.scatter [tilespmem:s6], [sflag:$0x2], $0x400, s25, s24, $0x38;
	[tilespmem:$0x17400] =	vst v63  }
0x13b: {  	s15 =	sadd.s32 $0x6000, s21;
	s16 =	sadd.s32 $0x180, s0  }
0x13c: {  	[hbm4b:s16+s24] =	stream.strided.scatter [tilespmem:s15], [sflag:$0x2], $0x400, s25, s24, $0x38;
	[tilespmem:$0x17400] =	vst v63  }
0x13d: {  	s22 =	sadd.s32 $0x6400, s21;
	s26 =	sadd.s32 $0x200, s0  }
0x13e: {  	[hbm4b:s26+s24] =	stream.strided.scatter [tilespmem:s22], [sflag:$0x2], $0x400, s25, s24, $0x38;
	[tilespmem:$0x17400] =	vst v63  }
0x13f: {  	s28 =	sadd.s32 $0x6800, s21;
	s29 =	sadd.s32 $0x280, s0  }
0x140: {  	[hbm4b:s29+s24] =	stream.strided.scatter [tilespmem:s28], [sflag:$0x2], $0x400, s25, s24, $0x38;
	[tilespmem:$0x17400] =	vst v63  }
0x141: {  	s30 =	sadd.s32 $0x6C00, s21;
	s0 =	sadd.s32 $0x90000, s0  }
0x142: {  	[hbm4b:s0+s24] =	stream.strided.scatter [tilespmem:s30], [sflag:$0x2], $0x400, s25, s24, $0x38;
	[tilespmem:$0x17400] =	vst v63  }
0x143: {  	s6 =	sadd.s32 $0x7000, s21;
	s14 =	sadd.s32 $0x80, s0  }
0x144: {  	[hbm4b:s14+s24] =	stream.strided.scatter [tilespmem:s6], [sflag:$0x2], $0x400, s25, s24, $0x38;
	[tilespmem:$0x17400] =	vst v63  }
0x145: {  	s20 =	sadd.s32 $0x1, s20;
	s15 =	sadd.s32 $0x7400, s21;
	s16 =	sadd.s32 $0x100, s0  }
0x146: {  	[hbm4b:s16+s24] =	stream.strided.scatter [tilespmem:s15], [sflag:$0x2], $0x400, s25, s24, $0x38;
	[tilespmem:$0x17400] =	vst v63  }
0x147: {  	p0 =	sne.s32 s20, $0x5B;
	s22 =	sadd.s32 $0x7800, s21;
	s26 =	sadd.s32 $0x180, s0  }
0x148: {  	[hbm4b:s26+s24] =	stream.strided.scatter [tilespmem:s22], [sflag:$0x2], $0x400, s25, s24, $0x38;
	[tilespmem:$0x17400] =	vst v63  }
.Ltmp2:
0x149: {  	_ = 	snop;
	(pc) =	sbr.rel @p0 .LBB2_4-.Ltmp2, $4  }
0x14a: {  	s28 =	sadd.s32 $0x7C00, s21;
	s29 =	sadd.s32 $0x200, s0  }
0x14b: {  	[hbm4b:s29+s24] =	stream.strided.scatter [tilespmem:s28], [sflag:$0x2], $0x400, s25, s24, $0x38;
	[tilespmem:$0x17400] =	vst v63  }
0x14c: {  	s30 =	sadd.s32 $0x8000, s21;
	s0 =	sadd.s32 $0x280, s0  }
0x14d: {  	[hbm4b:s0+s24] =	stream.strided.scatter [tilespmem:s30], [sflag:$0x2], $0x400, s25, s24, $0x38;
	[tilespmem:$0x17400] =	vst v63  }
0x14e: {  	s20 =	simm.s32 $0x5B  }
.LBB2_8:
0x14f: {  	s0 =	smul.u32 $0xAB, s20  }
0x150: {  	s2 =	sshrl.u32 s20, $0x5  }
0x151: {  	s2 =	smul.u32 $0x6000, s2;
	s0 =	sshrl.u32 s0, $0xA  }
0x152: {  	s6 =	sshll.u32 s20, $0x5;
	s14 =	simm.s32 $0x0;
	s0 =	sand.u32 $0x3F, s0  }
0x153: {  	s22 =	sand.u32 $0x380, s6;
	s2 =	sshra.s32 s2, $0x2;
	s0 =	smul.u32 $0x6, s0  }
0x154: {  	_ =	swait.ge [sflag:s31], $0x3000;
	s15 =	sand.u32 $0x1C00, s14;
	s2 =	sor.u32 s22, s2  }
0x155: {  	[sflag:s31] =	ssyncset.done $0x0;
	s28 =	sadd.s32 $0xC00, s2;
	s0 =	ssub.s32 s20, s0  }
0x156: {  	s6 =	sand.u32 $0x70, s14;
	s14 =	sadd.s32 s15, s28;
	s0 =	sand.u32 $0xFF, s0  }
0x157: {  	[sflag:s31] =	ssyncadd.s32 $0xFFFFD000;
	s14 =	sadd.s32 s6, s14;
	s0 =	smul.u32 $0xC000, s0  }
0x158: {  	v3 =	vld [tilespmem:s14+$0x0]  }
0x159: {  	s21 =	sshrl.u32 s0, $0x2  }
0x15a: {  	s26 =	sadd.s32 $0x5400, s21  }
0x15b: {  	s16 =	sadd.s32 s15, s26  }
0x15c: {  	s30 =	sadd.s32 s6, s16  }
0x15d: {  	[tilespmem:s30+$0x0] =	vst.add.f32.msk $0xffff, v3  }
0x15e: {  	[tilespmem:s30+$0x80] =	vst.add.f32.msk $0xffff, v3  }
0x15f: {  	[tilespmem:s30+$0x100] =	vst.add.f32.msk $0xffff, v3  }
0x160: {  	[tilespmem:s30+$0x180] =	vst.add.f32.msk $0xffff, v3  }
0x161: {  	[tilespmem:s30+$0x200] =	vst.add.f32.msk $0xffff, v3  }
0x162: {  	[tilespmem:s30+$0x280] =	vst.add.f32.msk $0xffff, v3  }
0x163: {  	[tilespmem:s30+$0x300] =	vst.add.f32.msk $0xffff, v3  }
0x164: {  	[tilespmem:s30+$0x380] =	vst.add.f32.msk $0xffff, v3  }
0x165: {  	[tilespmem:s30+$0x1800] =	vst.add.f32.msk $0xffff, v3  }
0x166: {  	[tilespmem:s30+$0x1880] =	vst.add.f32.msk $0xffff, v3  }
0x167: {  	[tilespmem:s30+$0x1900] =	vst.add.f32.msk $0xffff, v3  }
0x168: {  	[tilespmem:s30+$0x1980] =	vst.add.f32.msk $0xffff, v3  }
0x169: {  	s29 =	sshrl.u32 s20, $0x2;
	s2 =	simm.s32 $0x80;
	[tilespmem:s30+$0x1A00] =	vst.add.f32.msk $0xffff, v3  }
0x16a: {  	s14 =	simm.s32 $0x10;
	s0 =	simm.s32 $0x20;
	s15 =	sand.u32 $0x1C00, s2;
	[tilespmem:s30+$0x1A80] =	vst.add.f32.msk $0xffff, v3  }
.LBB2_9:
0x16b: {  	p0 =	sne.s32 s0, $0x2F0;
	s6 =	sand.u32 $0x70, s14;
	s14 =	sadd.s32 s15, s28;
	[tilespmem:s30+$0x1B00] =	vst.add.f32.msk $0xffff, v3  }
0x16c: {  	s16 =	sadd.s32 s6, s14;
	[tilespmem:s30+$0x1B80] =	vst.add.f32.msk $0xffff, v3;
	s14 =	smov.u32 s0  }
0x16d: {  	v3 =	vld [tilespmem:s16+$0x0];
	_ =	sdelay $0x2  }
0x16e: {  	s15 =	sadd.s32 s15, s26  }
0x16f: {  	s30 =	sadd.s32 s6, s15  }
0x170: {  	[tilespmem:s30+$0x0] =	vst.add.f32.msk $0xffff, v3  }
0x171: {  	[tilespmem:s30+$0x80] =	vst.add.f32.msk $0xffff, v3  }
0x172: {  	[tilespmem:s30+$0x100] =	vst.add.f32.msk $0xffff, v3  }
0x173: {  	[tilespmem:s30+$0x180] =	vst.add.f32.msk $0xffff, v3  }
0x174: {  	[tilespmem:s30+$0x200] =	vst.add.f32.msk $0xffff, v3  }
0x175: {  	[tilespmem:s30+$0x280] =	vst.add.f32.msk $0xffff, v3  }
0x176: {  	[tilespmem:s30+$0x300] =	vst.add.f32.msk $0xffff, v3  }
0x177: {  	[tilespmem:s30+$0x380] =	vst.add.f32.msk $0xffff, v3  }
0x178: {  	[tilespmem:s30+$0x1800] =	vst.add.f32.msk $0xffff, v3  }
.Ltmp3:
0x179: {  	[tilespmem:s30+$0x1880] =	vst.add.f32.msk $0xffff, v3;
	(pc) =	sbr.rel @p0 .LBB2_9-.Ltmp3, $4  }
0x17a: {  	[tilespmem:s30+$0x1900] =	vst.add.f32.msk $0xffff, v3  }
0x17b: {  	[tilespmem:s30+$0x1980] =	vst.add.f32.msk $0xffff, v3  }
0x17c: {  	s2 =	sadd.s32 $0x80, s2;
	[tilespmem:s30+$0x1A00] =	vst.add.f32.msk $0xffff, v3  }
0x17d: {  	s15 =	sand.u32 $0x1C00, s2;
	s0 =	sadd.s32 $0x10, s0;
	[tilespmem:s30+$0x1A80] =	vst.add.f32.msk $0xffff, v3  }
0x17e: {  	s0 =	sand.u32 $0x70, s14;
	s2 =	sadd.s32 s15, s28;
	[tilespmem:s30+$0x1B00] =	vst.add.f32.msk $0xffff, v3  }
0x17f: {  	[tilespmem:s30+$0x1B80] =	vst.add.f32.msk $0xffff, v3;
	s2 =	sadd.s32 s0, s2  }
0x180: {  	v3 =	vld [tilespmem:s2+$0x0];
	_ =	sdelay $0x2  }
0x181: {  	s16 =	sadd.s32 s15, s26  }
0x182: {  	s0 =	sadd.s32 s0, s16  }
0x183: {  	[tilespmem:s0+$0x0] =	vst.add.f32.msk $0xffff, v3  }
0x184: {  	[tilespmem:s0+$0x80] =	vst.add.f32.msk $0xffff, v3  }
0x185: {  	[tilespmem:s0+$0x100] =	vst.add.f32.msk $0xffff, v3  }
0x186: {  	[tilespmem:s0+$0x180] =	vst.add.f32.msk $0xffff, v3  }
0x187: {  	[tilespmem:s0+$0x200] =	vst.add.f32.msk $0xffff, v3  }
0x188: {  	[tilespmem:s0+$0x280] =	vst.add.f32.msk $0xffff, v3  }
0x189: {  	[tilespmem:s0+$0x300] =	vst.add.f32.msk $0xffff, v3  }
0x18a: {  	[tilespmem:s0+$0x380] =	vst.add.f32.msk $0xffff, v3  }
0x18b: {  	s28 =	sand.u32 $0x3, s20;
	s6 =	sadd.s32 s4, s29;
	[tilespmem:s0+$0x1800] =	vst.add.f32.msk $0xffff, v3  }
0x18c: {  	s6 =	sshrl.u32 s6, $0x3;
	s2 =	smul.u32 $0x900000, s28;
	[tilespmem:s0+$0x1880] =	vst.add.f32.msk $0xffff, v3  }
0x18d: {  	s6 =	smul.u32 $0x1800, s6;
	[tilespmem:s0+$0x1900] =	vst.add.f32.msk $0xffff, v3  }
0x18e: {  	[tilespmem:s0+$0x1980] =	vst.add.f32.msk $0xffff, v3  }
0x18f: {  	s2 =	sadd.s32 s2, s6;
	[tilespmem:s0+$0x1A00] =	vst.add.f32.msk $0xffff, v3  }
0x190: {  	s2 =	sor.u32 s22, s2;
	[tilespmem:s0+$0x1A80] =	vst.add.f32.msk $0xffff, v3  }
0x191: {  	s2 =	sshrl.u32 s2, $0x3;
	[tilespmem:s0+$0x1B00] =	vst.add.f32.msk $0xffff, v3  }
0x192: {  	[tilespmem:s0+$0x1B80] =	vst.add.f32.msk $0xffff, v3;
	s0 =	sadd.s32 s3, s2  }
0x193: {  	[hbm4b:s0+s24] =	stream.strided.scatter [tilespmem:s26], [sflag:$0x2], $0x400, s25, s24, $0x38;
	[tilespmem:$0x17400] =	vst v63  }
0x194: {  	s29 =	sadd.s32 $0x5800, s21;
	s30 =	sadd.s32 $0x80, s0  }
0x195: {  	[hbm4b:s30+s24] =	stream.strided.scatter [tilespmem:s29], [sflag:$0x2], $0x400, s25, s24, $0x38;
	[tilespmem:$0x17400] =	vst v63  }
0x196: {  	s6 =	sadd.s32 $0x5C00, s21;
	s14 =	sadd.s32 $0x100, s0  }
0x197: {  	[hbm4b:s14+s24] =	stream.strided.scatter [tilespmem:s6], [sflag:$0x2], $0x400, s25, s24, $0x38;
	[tilespmem:$0x17400] =	vst v63  }
0x198: {  	s15 =	sadd.s32 $0x6000, s21;
	s16 =	sadd.s32 $0x180, s0  }
0x199: {  	[hbm4b:s16+s24] =	stream.strided.scatter [tilespmem:s15], [sflag:$0x2], $0x400, s25, s24, $0x38;
	[tilespmem:$0x17400] =	vst v63  }
0x19a: {  	s22 =	sadd.s32 $0x6400, s21;
	s26 =	sadd.s32 $0x200, s0  }
0x19b: {  	[hbm4b:s26+s24] =	stream.strided.scatter [tilespmem:s22], [sflag:$0x2], $0x400, s25, s24, $0x38;
	[tilespmem:$0x17400] =	vst v63  }
0x19c: {  	s28 =	sadd.s32 $0x6800, s21;
	s29 =	sadd.s32 $0x280, s0  }
0x19d: {  	[hbm4b:s29+s24] =	stream.strided.scatter [tilespmem:s28], [sflag:$0x2], $0x400, s25, s24, $0x38;
	[tilespmem:$0x17400] =	vst v63  }
0x19e: {  	s30 =	sadd.s32 $0x6C00, s21;
	s0 =	sadd.s32 $0x90000, s0  }
0x19f: {  	[hbm4b:s0+s24] =	stream.strided.scatter [tilespmem:s30], [sflag:$0x2], $0x400, s25, s24, $0x38;
	[tilespmem:$0x17400] =	vst v63  }
0x1a0: {  	s6 =	sadd.s32 $0x7000, s21;
	s14 =	sadd.s32 $0x80, s0  }
0x1a1: {  	[hbm4b:s14+s24] =	stream.strided.scatter [tilespmem:s6], [sflag:$0x2], $0x400, s25, s24, $0x38;
	[tilespmem:$0x17400] =	vst v63  }
0x1a2: {  	s20 =	sadd.s32 $0x1, s20;
	s15 =	sadd.s32 $0x7400, s21;
	s16 =	sadd.s32 $0x100, s0  }
0x1a3: {  	[hbm4b:s16+s24] =	stream.strided.scatter [tilespmem:s15], [sflag:$0x2], $0x400, s25, s24, $0x38;
	[tilespmem:$0x17400] =	vst v63  }
0x1a4: {  	p0 =	sne.s32 s20, $0x60;
	s22 =	sadd.s32 $0x7800, s21;
	s26 =	sadd.s32 $0x180, s0  }
0x1a5: {  	[hbm4b:s26+s24] =	stream.strided.scatter [tilespmem:s22], [sflag:$0x2], $0x400, s25, s24, $0x38;
	[tilespmem:$0x17400] =	vst v63  }
.Ltmp4:
0x1a6: {  	_ = 	snop;
	(pc) =	sbr.rel @p0 .LBB2_8-.Ltmp4, $4  }
0x1a7: {  	s28 =	sadd.s32 $0x7C00, s21;
	s29 =	sadd.s32 $0x200, s0  }
0x1a8: {  	[hbm4b:s29+s24] =	stream.strided.scatter [tilespmem:s28], [sflag:$0x2], $0x400, s25, s24, $0x38;
	[tilespmem:$0x17400] =	vst v63  }
0x1a9: {  	s30 =	sadd.s32 $0x8000, s21;
	s0 =	sadd.s32 $0x280, s0  }
0x1aa: {  	[hbm4b:s0+s24] =	stream.strided.scatter [tilespmem:s30], [sflag:$0x2], $0x400, s25, s24, $0x38;
	[tilespmem:$0x17400] =	vst v63  }
0x1ab: {  	_ =	swait.ge [sflag:s23], $0x3000  }
0x1ac: {  	[sflag:s23] =	ssyncset.done $0x0  }
0x1ad: {  	[sflag:s23] =	ssyncadd.s32 $0xFFFFD000  }
0x1ae: {  	_ =	swait.ge [sflag:s23], $0x3000  }
0x1af: {  	[sflag:s23] =	ssyncset.done $0x0  }
0x1b0: {  	[sflag:s23] =	ssyncadd.s32 $0xFFFFD000  }
0x1b1: {  	_ =	swait.ge [sflag:s23], $0x3000  }
0x1b2: {  	[sflag:s23] =	ssyncset.done $0x0  }
0x1b3: {  	[sflag:s23] =	ssyncadd.s32 $0xFFFFD000  }
0x1b4: {  	_ =	swait.ge [sflag:s23], $0x3000  }
0x1b5: {  	[sflag:s23] =	ssyncset.done $0x0  }
0x1b6: {  	s13 =	sadd.s32 $0x1, s13;
	[sflag:s23] =	ssyncadd.s32 $0xFFFFD000  }
0x1b7: {  	p0 =	sne.s32 s13, s11;
	_ =	swait.ge [sflag:s23], $0x3000  }
.Ltmp5:
0x1b8: {  	[sflag:s23] =	ssyncset.done $0x0;
	(pc) =	sbr.rel @p0 .LBB2_1-.Ltmp5, $4  }
0x1b9: {  	[sflag:s23] =	ssyncadd.s32 $0xFFFFD000  }
0x1ba: {  	_ =	swait.ge [sflag:s23], $0x3000  }
0x1bb: {  	s6 =	simm.s32 $0x5400;
	[sflag:s23] =	ssyncset.done $0x0  }
0x1bc: {  	s16 =	simm.s32 $0x5C00;
	s21 =	simm.s32 $0x6400;
	[sflag:s23] =	ssyncadd.s32 $0xFFFFD000  }
0x1bd: {  	_ =	sfence.sel $0x180000  }
0x1be: {  	[bflag:$0x0] =	sbarrier.arrive $0xFFFF  }
0x1bf: {  	_ =	strace $0x90000047  }
0x1c0: {  	s0 =	stileid.u32;
	[bflag:$0x2] =	sbarrier.arrive $0xFFFF  }
0x1c1: {  	p0 =	sne.s32 s0, $0x0;
	s0 =	rddreg [dreg:$0x4]  }
0x1c2: {  	s0 =	sadd.s32 @!p0 $0x100000, s0  }
0x1c3: {  	[sflag:s0] =	ssyncadd.tile.s32 @!p0 $0x1;
	_ =	shalt  }
.Lfunc_end2:
_tile_overlayer_lowered:
.L_overlay_start_2:
0x1c4: {  	(tag) =	ssettag $0x2  }
0x1c5: {  	s0 =	rddreg [dreg:$0x0];
	s2 =	stileid.u32  }
0x1c6: {  	s1 =	rddreg [dreg:$0x1];
	p0 =	sne.s32 s2, $0x0  }
0x1c7: {  	s3 =	rddreg [dreg:$0x2];
	[bflag:$0x3] =	sbarrier.arrive $0xFFFF;
	s2 =	simm.s32 @!p0 $0x1C03  }
0x1c8: {  	[timem:s3], [sflag:s2] =	dma.local @!p0 [hbm:s0], s1  }
0x1c9: {  	s0 =	simm.s32 @!p0 $0x3  }
0x1ca: {  	_ =	swait.ge @!p0 [sflag:s0], s1  }
0x1cb: {  	s1 =	ssub.s32 @!p0 $0x0, s1;
	[sflag:s0] =	ssyncset.done @!p0 $0x0  }
0x1cc: {  	[sflag:s0] =	ssyncadd.s32 @!p0 s1  }
0x1cd: {  	[bflag:$0x3] =	sbarrier.arrive $0xFFFF  }
0x1ce: {  	_ =	shalt  }

</sc_bundles>
